<compile_context>
chip_gen: v7x
topology: tpu7x:2x2x1
jax: 0.10.2.dev20260603
libtpu: 0.0.44.dev20260713+nightly
codegen_flags: <defaults>
</compile_context>

<pallas_src>
import functools

import jax
import jax.numpy as jnp
from jax import lax
from jax.experimental import pallas as pl
from jax.experimental.pallas import tpu as pltpu
from jax.experimental.pallas import tpu_sc as plsc

_LANES = 16


@functools.lru_cache(maxsize=None)
def _build(N, B, T, C):
    assert N % C == 0 and C % _LANES == 0 and C % 8 == 0
    NCH = N // C
    mesh = plsc.VectorSubcoreMesh(core_axis_name="c", subcore_axis_name="s")
    NC = mesh.num_cores
    NW = NC * mesh.num_subcores
    FULL = NCH // NW
    TAIL = NCH - FULL * NW
    UNROLL = 10
    assert (C // _LANES) % UNROLL == 0

    @functools.partial(
        pl.kernel,
        mesh=mesh,
        out_type=jax.ShapeDtypeStruct((N,), jnp.float32),
        scratch_types=[
            pltpu.VMEM((B,), jnp.int32),
            pltpu.VMEM((T,), jnp.float32),
            pltpu.VMEM((B,), jnp.float32),
            [pltpu.VMEM((C,), jnp.int32) for _ in range(2)],
            [pltpu.VMEM((C,), jnp.float32) for _ in range(2)],
            [pltpu.SemaphoreType.DMA for _ in range(2)],
            [pltpu.SemaphoreType.DMA for _ in range(2)],
        ],
        compiler_params=pltpu.CompilerParams(
            needs_layout_passes=False, use_tc_tiling_on_sc=False),
    )
    def k(batch_h, time_h, sched_h, out_h, time_v, sched_v, cs_v, idx_v, o_v,
          s_in, s_out):
        wid = lax.axis_index("s") * NC + lax.axis_index("c")

        def base_of(r):
            return (wid + r * NW) * C

        def compute(b):
            iv, ov = idx_v[b], o_v[b]

            @plsc.parallel_loop(0, C, _LANES, unroll=UNROLL)
            def _(i):
                sl = pl.ds(i, _LANES)
                idx = iv[sl]
                ov[sl] = plsc.load_gather(cs_v, [idx])

        cp_in = [None, None]
        cp_out = [None, None]
        cp_in[0] = pltpu.async_copy(
            batch_h.at[pl.ds(base_of(0), C)], idx_v[0], s_in[0])
        pltpu.sync_copy(time_h, time_v)
        pltpu.sync_copy(sched_h, sched_v)

        @plsc.parallel_loop(0, B, _LANES, unroll=8)
        def _(i):
            sl = pl.ds(i, _LANES)
            cs_v[sl] = plsc.load_gather(sched_v, [time_v[sl]])

        for r in range(FULL):
            b = r % 2
            if r + 1 < FULL:
                cp_in[1 - b] = pltpu.async_copy(
                    batch_h.at[pl.ds(base_of(r + 1), C)],
                    idx_v[1 - b], s_in[1 - b])
            cp_in[b].wait()
            if r >= 2:
                cp_out[b].wait()
            compute(b)
            cp_out[b] = pltpu.async_copy(
                o_v[b], out_h.at[pl.ds(base_of(r), C)], s_out[b])

        for r in (FULL - 2, FULL - 1):
            if r >= 0:
                cp_out[r % 2].wait()

        if TAIL:
            @pl.when(wid < TAIL)
            def _():
                base = (FULL * NW + wid) * C
                pltpu.sync_copy(batch_h.at[pl.ds(base, C)], idx_v[0])
                compute(0)
                pltpu.sync_copy(o_v[0], out_h.at[pl.ds(base, C)])

    return k


def kernel(batch, time, forward_data_schedule, forward_noise_schedule):
    N = batch.shape[0]
    B = time.shape[0]
    T = forward_data_schedule.shape[0]
    C = 8000
    while N % C or C % _LANES:
        C //= 2
    k = _build(N, B, T, C)
    d = k(batch, time, forward_data_schedule)
    n = k(batch, time, forward_noise_schedule)
    return jnp.reshape(d, (N, 1)), jnp.reshape(n, (N, 1))

# --- scband reference (transcript-rebuilt; emitter-appended) ---
"""Pipeline reference for scband-discrete-flow-matching-interpolant-42468636622877 (READ-ONLY COPY).

The authoritative reference and input builder live on the scoring server;
editing this copy changes nothing except your own understanding.
"""

import jax, jax.numpy as jnp
import numpy as np

TIMESTEPS = 500
MIN_T = 0.01
N = 2000000
B = 16384


def setup_inputs(seed: int = 0) -> dict:
    key = jax.random.key(seed)
    k1, k2 = jax.random.split(key)
    batch = jax.random.randint(k1, (N,), 0, B, dtype=jnp.int32)
    time = jax.random.randint(k2, (B,), 0, TIMESTEPS, dtype=jnp.int32)
    # buffers registered in __init__ (scheduler_type='linear'):
    t = jnp.linspace(MIN_T, 1.0, TIMESTEPS).astype(jnp.float32)
    forward_data_schedule = t
    forward_noise_schedule = 1.0 - t
    return {
        "batch": batch,
        "time": time,
        "forward_data_schedule": forward_data_schedule,
        "forward_noise_schedule": forward_noise_schedule,
    }


def reference(batch, time, forward_data_schedule, forward_noise_schedule):
    # DiscreteFlowMatchingInterpolant.forward_schedule with time_type='discrete',
    # schedule_type='linear':
    #   forward_data_schedule[time].unsqueeze(1)[batch]
    #   forward_noise_schedule[time].unsqueeze(1)[batch]
    # Double gather: per-graph schedule lookup, then broadcast to per-node via batch index.
    ds = jnp.take(forward_data_schedule, time, axis=0)[:, None]
    ns = jnp.take(forward_noise_schedule, time, axis=0)[:, None]
    data_scale = jnp.take(ds, batch, axis=0)
    noise_scale = jnp.take(ns, batch, axis=0)
    return (data_scale, noise_scale)

if __name__ == "__main__":
    import jax
    _d = setup_inputs()
    print(jax.jit(kernel)(*tuple(_d.values())))

</pallas_src>

<mosaic_0001>
#map = affine_map<(d0, d1) -> (0)>
module attributes {stable_mosaic.version = 14 : i64} {
  func.func @k(%arg0: i32, %arg1: i32, %arg2: memref<2000000xi32, #tpu.memory_space<hbm>>, %arg3: memref<16384xi32, #tpu.memory_space<hbm>>, %arg4: memref<500xf32, #tpu.memory_space<hbm>>, %arg5: memref<2000000xf32, #tpu.memory_space<hbm>>, %arg6: memref<16384xi32, #tpu.memory_space<vmem>>, %arg7: memref<500xf32, #tpu.memory_space<vmem>>, %arg8: memref<16384xf32, #tpu.memory_space<vmem>>, %arg9: memref<8000xi32, #tpu.memory_space<vmem>>, %arg10: memref<8000xi32, #tpu.memory_space<vmem>>, %arg11: memref<8000xf32, #tpu.memory_space<vmem>>, %arg12: memref<8000xf32, #tpu.memory_space<vmem>>, %arg13: memref<!tpu.dma_semaphore, #tpu.memory_space<semaphore_mem>>, %arg14: memref<!tpu.dma_semaphore, #tpu.memory_space<semaphore_mem>>, %arg15: memref<!tpu.dma_semaphore, #tpu.memory_space<semaphore_mem>>, %arg16: memref<!tpu.dma_semaphore, #tpu.memory_space<semaphore_mem>>) attributes {dimension_semantics = [#tpu.dimension_semantics<core_parallel>, #tpu.dimension_semantics<subcore_parallel>], iteration_bounds = array<i64: 2, 16>, scalar_prefetch = 0 : i64, scratch_operands = 11 : i64, tpu.core_type = #tpu.core_type<sc_vector_subcore>, window_params = [{transform_indices = #map}, {transform_indices = #map}, {transform_indices = #map}, {transform_indices = #map}]} {
    %mul3A = arith.constant 2 : i32
    %mul3A_0 = arith.muli %arg1, %mul3A : i32
    %add3A = arith.addi %mul3A_0, %arg0 : i32
    %add3A_1 = arith.constant 0 : i32
    %add3A_2 = arith.addi %add3A, %add3A_1 : i32
    %mul3A_3 = arith.constant 8000 : i32
    %mul3A_4 = arith.muli %add3A_2, %mul3A_3 : i32
    %dma_start3A = tpu.memref_slice %arg2[%mul3A_4] : memref<2000000xi32, #tpu.memory_space<hbm>> -> memref<8000xi32, #tpu.memory_space<hbm>>
    %dma_start3A_5 = tpu.memref_slice %arg2[%mul3A_4] : memref<2000000xi32, #tpu.memory_space<hbm>> -> memref<8000xi32, #tpu.memory_space<hbm>>
    tpu.enqueue_dma source(%dma_start3A_5 : memref<8000xi32, #tpu.memory_space<hbm>>) target(%arg9 : memref<8000xi32, #tpu.memory_space<vmem>>) target_semaphore(%arg13 : memref<!tpu.dma_semaphore, #tpu.memory_space<semaphore_mem>>)
    "tpu.region"() ({
      %run_scoped3A = tpu.sem_alloc : memref<!tpu.dma_semaphore, #tpu.memory_space<semaphore_mem>>
      tpu.enqueue_dma source(%arg3 : memref<16384xi32, #tpu.memory_space<hbm>>) target(%arg6 : memref<16384xi32, #tpu.memory_space<vmem>>) target_semaphore(%run_scoped3A : memref<!tpu.dma_semaphore, #tpu.memory_space<semaphore_mem>>)
      tpu.wait_dma2 semaphore(%run_scoped3A : memref<!tpu.dma_semaphore, #tpu.memory_space<semaphore_mem>>) src(%arg3 : memref<16384xi32, #tpu.memory_space<hbm>>) dst(%arg6 : memref<16384xi32, #tpu.memory_space<vmem>>)
      tpu.yield
    }) : () -> ()
    "tpu.region"() ({
      %run_scoped3A = tpu.sem_alloc : memref<!tpu.dma_semaphore, #tpu.memory_space<semaphore_mem>>
      tpu.enqueue_dma source(%arg4 : memref<500xf32, #tpu.memory_space<hbm>>) target(%arg7 : memref<500xf32, #tpu.memory_space<vmem>>) target_semaphore(%run_scoped3A : memref<!tpu.dma_semaphore, #tpu.memory_space<semaphore_mem>>)
      tpu.wait_dma2 semaphore(%run_scoped3A : memref<!tpu.dma_semaphore, #tpu.memory_space<semaphore_mem>>) src(%arg4 : memref<500xf32, #tpu.memory_space<hbm>>) dst(%arg7 : memref<500xf32, #tpu.memory_space<vmem>>)
      tpu.yield
    }) : () -> ()
    %parallel_loop3A = arith.constant 0 : i32
    %parallel_loop3A_6 = arith.constant 16384 : i32
    %parallel_loop3A_7 = arith.constant 16 : i32
    scf.for %parallel_loop3A_136 = %parallel_loop3A to %parallel_loop3A_6 step %parallel_loop3A_7  : i32 {
      %parallel_loop3A_137 = arith.index_cast %parallel_loop3A_136 : i32 to index
      %parallel_loop3A_138 = tpu.vector_load %arg6[%parallel_loop3A_137] {strides = array<i32>} : memref<16384xi32, #tpu.memory_space<vmem>>, vector<16xi32>,
      %parallel_loop3A_139 = tpu.vector_load_idx %arg7[%parallel_loop3A_138] : memref<500xf32, #tpu.memory_space<vmem>>[vector<16xi32>], vector<16xf32>,
      %parallel_loop3A_140 = arith.index_cast %parallel_loop3A_136 : i32 to index
      %parallel_loop3A_141 = tpu.vector_load %arg8[%parallel_loop3A_140] {strides = array<i32>} : memref<16384xf32, #tpu.memory_space<vmem>>, vector<16xf32>,
      tpu.vector_store %arg8[%parallel_loop3A_140], %parallel_loop3A_139 {strides = array<i32>} : memref<16384xf32, #tpu.memory_space<vmem>>, vector<16xf32>,
    } {sc.loop_unroll_factor = 8 : i64, sc.parallel_access}
    %add3A_8 = arith.constant 32 : i32
    %add3A_9 = arith.addi %add3A, %add3A_8 : i32
    %mul3A_10 = arith.constant 8000 : i32
    %mul3A_11 = arith.muli %add3A_9, %mul3A_10 : i32
    %dma_start3A_12 = tpu.memref_slice %arg2[%mul3A_11] : memref<2000000xi32, #tpu.memory_space<hbm>> -> memref<8000xi32, #tpu.memory_space<hbm>>
    %dma_start3A_13 = tpu.memref_slice %arg2[%mul3A_11] : memref<2000000xi32, #tpu.memory_space<hbm>> -> memref<8000xi32, #tpu.memory_space<hbm>>
    tpu.enqueue_dma source(%dma_start3A_13 : memref<8000xi32, #tpu.memory_space<hbm>>) target(%arg10 : memref<8000xi32, #tpu.memory_space<vmem>>) target_semaphore(%arg14 : memref<!tpu.dma_semaphore, #tpu.memory_space<semaphore_mem>>)
    %dma_wait3A = tpu.memref_slice %arg2[%mul3A_4] : memref<2000000xi32, #tpu.memory_space<hbm>> -> memref<8000xi32, #tpu.memory_space<hbm>>
    %dma_wait3A_14 = tpu.memref_slice %arg2[%mul3A_4] : memref<2000000xi32, #tpu.memory_space<hbm>> -> memref<8000xi32, #tpu.memory_space<hbm>>
    tpu.wait_dma2 semaphore(%arg13 : memref<!tpu.dma_semaphore, #tpu.memory_space<semaphore_mem>>) src(%dma_wait3A_14 : memref<8000xi32, #tpu.memory_space<hbm>>) dst(%arg9 : memref<8000xi32, #tpu.memory_space<vmem>>)
    %parallel_loop3A_15 = arith.constant 0 : i32
    %parallel_loop3A_16 = arith.constant 8000 : i32
    %parallel_loop3A_17 = arith.constant 16 : i32
    scf.for %parallel_loop3A_136 = %parallel_loop3A_15 to %parallel_loop3A_16 step %parallel_loop3A_17  : i32 {
      %parallel_loop3A_137 = arith.index_cast %parallel_loop3A_136 : i32 to index
      %parallel_loop3A_138 = tpu.vector_load %arg9[%parallel_loop3A_137] {strides = array<i32>} : memref<8000xi32, #tpu.memory_space<vmem>>, vector<16xi32>,
      %parallel_loop3A_139 = tpu.vector_load_idx %arg8[%parallel_loop3A_138] : memref<16384xf32, #tpu.memory_space<vmem>>[vector<16xi32>], vector<16xf32>,
      %parallel_loop3A_140 = arith.index_cast %parallel_loop3A_136 : i32 to index
      %parallel_loop3A_141 = tpu.vector_load %arg11[%parallel_loop3A_140] {strides = array<i32>} : memref<8000xf32, #tpu.memory_space<vmem>>, vector<16xf32>,
      tpu.vector_store %arg11[%parallel_loop3A_140], %parallel_loop3A_139 {strides = array<i32>} : memref<8000xf32, #tpu.memory_space<vmem>>, vector<16xf32>,
    } {sc.loop_unroll_factor = 10 : i64, sc.parallel_access}
    %add3A_18 = arith.constant 0 : i32
    %add3A_19 = arith.addi %add3A, %add3A_18 : i32
    %mul3A_20 = arith.constant 8000 : i32
    %mul3A_21 = arith.muli %add3A_19, %mul3A_20 : i32
    %dma_start3A_22 = tpu.memref_slice %arg5[%mul3A_21] : memref<2000000xf32, #tpu.memory_space<hbm>> -> memref<8000xf32, #tpu.memory_space<hbm>>
    %dma_start3A_23 = tpu.memref_slice %arg5[%mul3A_21] : memref<2000000xf32, #tpu.memory_space<hbm>> -> memref<8000xf32, #tpu.memory_space<hbm>>
    tpu.enqueue_dma source(%arg11 : memref<8000xf32, #tpu.memory_space<vmem>>) target(%dma_start3A_23 : memref<8000xf32, #tpu.memory_space<hbm>>) target_semaphore(%arg15 : memref<!tpu.dma_semaphore, #tpu.memory_space<semaphore_mem>>)
    %add3A_24 = arith.constant 64 : i32
    %add3A_25 = arith.addi %add3A, %add3A_24 : i32
    %mul3A_26 = arith.constant 8000 : i32
    %mul3A_27 = arith.muli %add3A_25, %mul3A_26 : i32
    %dma_start3A_28 = tpu.memref_slice %arg2[%mul3A_27] : memref<2000000xi32, #tpu.memory_space<hbm>> -> memref<8000xi32, #tpu.memory_space<hbm>>
    %dma_start3A_29 = tpu.memref_slice %arg2[%mul3A_27] : memref<2000000xi32, #tpu.memory_space<hbm>> -> memref<8000xi32, #tpu.memory_space<hbm>>
    tpu.enqueue_dma source(%dma_start3A_29 : memref<8000xi32, #tpu.memory_space<hbm>>) target(%arg9 : memref<8000xi32, #tpu.memory_space<vmem>>) target_semaphore(%arg13 : memref<!tpu.dma_semaphore, #tpu.memory_space<semaphore_mem>>)
    %dma_wait3A_30 = tpu.memref_slice %arg2[%mul3A_11] : memref<2000000xi32, #tpu.memory_space<hbm>> -> memref<8000xi32, #tpu.memory_space<hbm>>
    %dma_wait3A_31 = tpu.memref_slice %arg2[%mul3A_11] : memref<2000000xi32, #tpu.memory_space<hbm>> -> memref<8000xi32, #tpu.memory_space<hbm>>
    tpu.wait_dma2 semaphore(%arg14 : memref<!tpu.dma_semaphore, #tpu.memory_space<semaphore_mem>>) src(%dma_wait3A_31 : memref<8000xi32, #tpu.memory_space<hbm>>) dst(%arg10 : memref<8000xi32, #tpu.memory_space<vmem>>)
    %parallel_loop3A_32 = arith.constant 0 : i32
    %parallel_loop3A_33 = arith.constant 8000 : i32
    %parallel_loop3A_34 = arith.constant 16 : i32
    scf.for %parallel_loop3A_136 = %parallel_loop3A_32 to %parallel_loop3A_33 step %parallel_loop3A_34  : i32 {
      %parallel_loop3A_137 = arith.index_cast %parallel_loop3A_136 : i32 to index
      %parallel_loop3A_138 = tpu.vector_load %arg10[%parallel_loop3A_137] {strides = array<i32>} : memref<8000xi32, #tpu.memory_space<vmem>>, vector<16xi32>,
      %parallel_loop3A_139 = tpu.vector_load_idx %arg8[%parallel_loop3A_138] : memref<16384xf32, #tpu.memory_space<vmem>>[vector<16xi32>], vector<16xf32>,
      %parallel_loop3A_140 = arith.index_cast %parallel_loop3A_136 : i32 to index
      %parallel_loop3A_141 = tpu.vector_load %arg12[%parallel_loop3A_140] {strides = array<i32>} : memref<8000xf32, #tpu.memory_space<vmem>>, vector<16xf32>,
      tpu.vector_store %arg12[%parallel_loop3A_140], %parallel_loop3A_139 {strides = array<i32>} : memref<8000xf32, #tpu.memory_space<vmem>>, vector<16xf32>,
    } {sc.loop_unroll_factor = 10 : i64, sc.parallel_access}
    %add3A_35 = arith.constant 32 : i32
    %add3A_36 = arith.addi %add3A, %add3A_35 : i32
    %mul3A_37 = arith.constant 8000 : i32
    %mul3A_38 = arith.muli %add3A_36, %mul3A_37 : i32
    %dma_start3A_39 = tpu.memref_slice %arg5[%mul3A_38] : memref<2000000xf32, #tpu.memory_space<hbm>> -> memref<8000xf32, #tpu.memory_space<hbm>>
    %dma_start3A_40 = tpu.memref_slice %arg5[%mul3A_38] : memref<2000000xf32, #tpu.memory_space<hbm>> -> memref<8000xf32, #tpu.memory_space<hbm>>
    tpu.enqueue_dma source(%arg12 : memref<8000xf32, #tpu.memory_space<vmem>>) target(%dma_start3A_40 : memref<8000xf32, #tpu.memory_space<hbm>>) target_semaphore(%arg16 : memref<!tpu.dma_semaphore, #tpu.memory_space<semaphore_mem>>)
    %add3A_41 = arith.constant 96 : i32
    %add3A_42 = arith.addi %add3A, %add3A_41 : i32
    %mul3A_43 = arith.constant 8000 : i32
    %mul3A_44 = arith.muli %add3A_42, %mul3A_43 : i32
    %dma_start3A_45 = tpu.memref_slice %arg2[%mul3A_44] : memref<2000000xi32, #tpu.memory_space<hbm>> -> memref<8000xi32, #tpu.memory_space<hbm>>
    %dma_start3A_46 = tpu.memref_slice %arg2[%mul3A_44] : memref<2000000xi32, #tpu.memory_space<hbm>> -> memref<8000xi32, #tpu.memory_space<hbm>>
    tpu.enqueue_dma source(%dma_start3A_46 : memref<8000xi32, #tpu.memory_space<hbm>>) target(%arg10 : memref<8000xi32, #tpu.memory_space<vmem>>) target_semaphore(%arg14 : memref<!tpu.dma_semaphore, #tpu.memory_space<semaphore_mem>>)
    %dma_wait3A_47 = tpu.memref_slice %arg2[%mul3A_27] : memref<2000000xi32, #tpu.memory_space<hbm>> -> memref<8000xi32, #tpu.memory_space<hbm>>
    %dma_wait3A_48 = tpu.memref_slice %arg2[%mul3A_27] : memref<2000000xi32, #tpu.memory_space<hbm>> -> memref<8000xi32, #tpu.memory_space<hbm>>
    tpu.wait_dma2 semaphore(%arg13 : memref<!tpu.dma_semaphore, #tpu.memory_space<semaphore_mem>>) src(%dma_wait3A_48 : memref<8000xi32, #tpu.memory_space<hbm>>) dst(%arg9 : memref<8000xi32, #tpu.memory_space<vmem>>)
    %dma_wait3A_49 = tpu.memref_slice %arg5[%mul3A_21] : memref<2000000xf32, #tpu.memory_space<hbm>> -> memref<8000xf32, #tpu.memory_space<hbm>>
    %dma_wait3A_50 = tpu.memref_slice %arg5[%mul3A_21] : memref<2000000xf32, #tpu.memory_space<hbm>> -> memref<8000xf32, #tpu.memory_space<hbm>>
    tpu.wait_dma2 semaphore(%arg15 : memref<!tpu.dma_semaphore, #tpu.memory_space<semaphore_mem>>) src(%arg11 : memref<8000xf32, #tpu.memory_space<vmem>>) dst(%dma_wait3A_50 : memref<8000xf32, #tpu.memory_space<hbm>>)
    %parallel_loop3A_51 = arith.constant 0 : i32
    %parallel_loop3A_52 = arith.constant 8000 : i32
    %parallel_loop3A_53 = arith.constant 16 : i32
    scf.for %parallel_loop3A_136 = %parallel_loop3A_51 to %parallel_loop3A_52 step %parallel_loop3A_53  : i32 {
      %parallel_loop3A_137 = arith.index_cast %parallel_loop3A_136 : i32 to index
      %parallel_loop3A_138 = tpu.vector_load %arg9[%parallel_loop3A_137] {strides = array<i32>} : memref<8000xi32, #tpu.memory_space<vmem>>, vector<16xi32>,
      %parallel_loop3A_139 = tpu.vector_load_idx %arg8[%parallel_loop3A_138] : memref<16384xf32, #tpu.memory_space<vmem>>[vector<16xi32>], vector<16xf32>,
      %parallel_loop3A_140 = arith.index_cast %parallel_loop3A_136 : i32 to index
      %parallel_loop3A_141 = tpu.vector_load %arg11[%parallel_loop3A_140] {strides = array<i32>} : memref<8000xf32, #tpu.memory_space<vmem>>, vector<16xf32>,
      tpu.vector_store %arg11[%parallel_loop3A_140], %parallel_loop3A_139 {strides = array<i32>} : memref<8000xf32, #tpu.memory_space<vmem>>, vector<16xf32>,
    } {sc.loop_unroll_factor = 10 : i64, sc.parallel_access}
    %add3A_54 = arith.constant 64 : i32
    %add3A_55 = arith.addi %add3A, %add3A_54 : i32
    %mul3A_56 = arith.constant 8000 : i32
    %mul3A_57 = arith.muli %add3A_55, %mul3A_56 : i32
    %dma_start3A_58 = tpu.memref_slice %arg5[%mul3A_57] : memref<2000000xf32, #tpu.memory_space<hbm>> -> memref<8000xf32, #tpu.memory_space<hbm>>
    %dma_start3A_59 = tpu.memref_slice %arg5[%mul3A_57] : memref<2000000xf32, #tpu.memory_space<hbm>> -> memref<8000xf32, #tpu.memory_space<hbm>>
    tpu.enqueue_dma source(%arg11 : memref<8000xf32, #tpu.memory_space<vmem>>) target(%dma_start3A_59 : memref<8000xf32, #tpu.memory_space<hbm>>) target_semaphore(%arg15 : memref<!tpu.dma_semaphore, #tpu.memory_space<semaphore_mem>>)
    %add3A_60 = arith.constant 128 : i32
    %add3A_61 = arith.addi %add3A, %add3A_60 : i32
    %mul3A_62 = arith.constant 8000 : i32
    %mul3A_63 = arith.muli %add3A_61, %mul3A_62 : i32
    %dma_start3A_64 = tpu.memref_slice %arg2[%mul3A_63] : memref<2000000xi32, #tpu.memory_space<hbm>> -> memref<8000xi32, #tpu.memory_space<hbm>>
    %dma_start3A_65 = tpu.memref_slice %arg2[%mul3A_63] : memref<2000000xi32, #tpu.memory_space<hbm>> -> memref<8000xi32, #tpu.memory_space<hbm>>
    tpu.enqueue_dma source(%dma_start3A_65 : memref<8000xi32, #tpu.memory_space<hbm>>) target(%arg9 : memref<8000xi32, #tpu.memory_space<vmem>>) target_semaphore(%arg13 : memref<!tpu.dma_semaphore, #tpu.memory_space<semaphore_mem>>)
    %dma_wait3A_66 = tpu.memref_slice %arg2[%mul3A_44] : memref<2000000xi32, #tpu.memory_space<hbm>> -> memref<8000xi32, #tpu.memory_space<hbm>>
    %dma_wait3A_67 = tpu.memref_slice %arg2[%mul3A_44] : memref<2000000xi32, #tpu.memory_space<hbm>> -> memref<8000xi32, #tpu.memory_space<hbm>>
    tpu.wait_dma2 semaphore(%arg14 : memref<!tpu.dma_semaphore, #tpu.memory_space<semaphore_mem>>) src(%dma_wait3A_67 : memref<8000xi32, #tpu.memory_space<hbm>>) dst(%arg10 : memref<8000xi32, #tpu.memory_space<vmem>>)
    %dma_wait3A_68 = tpu.memref_slice %arg5[%mul3A_38] : memref<2000000xf32, #tpu.memory_space<hbm>> -> memref<8000xf32, #tpu.memory_space<hbm>>
    %dma_wait3A_69 = tpu.memref_slice %arg5[%mul3A_38] : memref<2000000xf32, #tpu.memory_space<hbm>> -> memref<8000xf32, #tpu.memory_space<hbm>>
    tpu.wait_dma2 semaphore(%arg16 : memref<!tpu.dma_semaphore, #tpu.memory_space<semaphore_mem>>) src(%arg12 : memref<8000xf32, #tpu.memory_space<vmem>>) dst(%dma_wait3A_69 : memref<8000xf32, #tpu.memory_space<hbm>>)
    %parallel_loop3A_70 = arith.constant 0 : i32
    %parallel_loop3A_71 = arith.constant 8000 : i32
    %parallel_loop3A_72 = arith.constant 16 : i32
    scf.for %parallel_loop3A_136 = %parallel_loop3A_70 to %parallel_loop3A_71 step %parallel_loop3A_72  : i32 {
      %parallel_loop3A_137 = arith.index_cast %parallel_loop3A_136 : i32 to index
      %parallel_loop3A_138 = tpu.vector_load %arg10[%parallel_loop3A_137] {strides = array<i32>} : memref<8000xi32, #tpu.memory_space<vmem>>, vector<16xi32>,
      %parallel_loop3A_139 = tpu.vector_load_idx %arg8[%parallel_loop3A_138] : memref<16384xf32, #tpu.memory_space<vmem>>[vector<16xi32>], vector<16xf32>,
      %parallel_loop3A_140 = arith.index_cast %parallel_loop3A_136 : i32 to index
      %parallel_loop3A_141 = tpu.vector_load %arg12[%parallel_loop3A_140] {strides = array<i32>} : memref<8000xf32, #tpu.memory_space<vmem>>, vector<16xf32>,
      tpu.vector_store %arg12[%parallel_loop3A_140], %parallel_loop3A_139 {strides = array<i32>} : memref<8000xf32, #tpu.memory_space<vmem>>, vector<16xf32>,
    } {sc.loop_unroll_factor = 10 : i64, sc.parallel_access}
    %add3A_73 = arith.constant 96 : i32
    %add3A_74 = arith.addi %add3A, %add3A_73 : i32
    %mul3A_75 = arith.constant 8000 : i32
    %mul3A_76 = arith.muli %add3A_74, %mul3A_75 : i32
    %dma_start3A_77 = tpu.memref_slice %arg5[%mul3A_76] : memref<2000000xf32, #tpu.memory_space<hbm>> -> memref<8000xf32, #tpu.memory_space<hbm>>
    %dma_start3A_78 = tpu.memref_slice %arg5[%mul3A_76] : memref<2000000xf32, #tpu.memory_space<hbm>> -> memref<8000xf32, #tpu.memory_space<hbm>>
    tpu.enqueue_dma source(%arg12 : memref<8000xf32, #tpu.memory_space<vmem>>) target(%dma_start3A_78 : memref<8000xf32, #tpu.memory_space<hbm>>) target_semaphore(%arg16 : memref<!tpu.dma_semaphore, #tpu.memory_space<semaphore_mem>>)
    %add3A_79 = arith.constant 160 : i32
    %add3A_80 = arith.addi %add3A, %add3A_79 : i32
    %mul3A_81 = arith.constant 8000 : i32
    %mul3A_82 = arith.muli %add3A_80, %mul3A_81 : i32
    %dma_start3A_83 = tpu.memref_slice %arg2[%mul3A_82] : memref<2000000xi32, #tpu.memory_space<hbm>> -> memref<8000xi32, #tpu.memory_space<hbm>>
    %dma_start3A_84 = tpu.memref_slice %arg2[%mul3A_82] : memref<2000000xi32, #tpu.memory_space<hbm>> -> memref<8000xi32, #tpu.memory_space<hbm>>
    tpu.enqueue_dma source(%dma_start3A_84 : memref<8000xi32, #tpu.memory_space<hbm>>) target(%arg10 : memref<8000xi32, #tpu.memory_space<vmem>>) target_semaphore(%arg14 : memref<!tpu.dma_semaphore, #tpu.memory_space<semaphore_mem>>)
    %dma_wait3A_85 = tpu.memref_slice %arg2[%mul3A_63] : memref<2000000xi32, #tpu.memory_space<hbm>> -> memref<8000xi32, #tpu.memory_space<hbm>>
    %dma_wait3A_86 = tpu.memref_slice %arg2[%mul3A_63] : memref<2000000xi32, #tpu.memory_space<hbm>> -> memref<8000xi32, #tpu.memory_space<hbm>>
    tpu.wait_dma2 semaphore(%arg13 : memref<!tpu.dma_semaphore, #tpu.memory_space<semaphore_mem>>) src(%dma_wait3A_86 : memref<8000xi32, #tpu.memory_space<hbm>>) dst(%arg9 : memref<8000xi32, #tpu.memory_space<vmem>>)
    %dma_wait3A_87 = tpu.memref_slice %arg5[%mul3A_57] : memref<2000000xf32, #tpu.memory_space<hbm>> -> memref<8000xf32, #tpu.memory_space<hbm>>
    %dma_wait3A_88 = tpu.memref_slice %arg5[%mul3A_57] : memref<2000000xf32, #tpu.memory_space<hbm>> -> memref<8000xf32, #tpu.memory_space<hbm>>
    tpu.wait_dma2 semaphore(%arg15 : memref<!tpu.dma_semaphore, #tpu.memory_space<semaphore_mem>>) src(%arg11 : memref<8000xf32, #tpu.memory_space<vmem>>) dst(%dma_wait3A_88 : memref<8000xf32, #tpu.memory_space<hbm>>)
    %parallel_loop3A_89 = arith.constant 0 : i32
    %parallel_loop3A_90 = arith.constant 8000 : i32
    %parallel_loop3A_91 = arith.constant 16 : i32
    scf.for %parallel_loop3A_136 = %parallel_loop3A_89 to %parallel_loop3A_90 step %parallel_loop3A_91  : i32 {
      %parallel_loop3A_137 = arith.index_cast %parallel_loop3A_136 : i32 to index
      %parallel_loop3A_138 = tpu.vector_load %arg9[%parallel_loop3A_137] {strides = array<i32>} : memref<8000xi32, #tpu.memory_space<vmem>>, vector<16xi32>,
      %parallel_loop3A_139 = tpu.vector_load_idx %arg8[%parallel_loop3A_138] : memref<16384xf32, #tpu.memory_space<vmem>>[vector<16xi32>], vector<16xf32>,
      %parallel_loop3A_140 = arith.index_cast %parallel_loop3A_136 : i32 to index
      %parallel_loop3A_141 = tpu.vector_load %arg11[%parallel_loop3A_140] {strides = array<i32>} : memref<8000xf32, #tpu.memory_space<vmem>>, vector<16xf32>,
      tpu.vector_store %arg11[%parallel_loop3A_140], %parallel_loop3A_139 {strides = array<i32>} : memref<8000xf32, #tpu.memory_space<vmem>>, vector<16xf32>,
    } {sc.loop_unroll_factor = 10 : i64, sc.parallel_access}
    %add3A_92 = arith.constant 128 : i32
    %add3A_93 = arith.addi %add3A, %add3A_92 : i32
    %mul3A_94 = arith.constant 8000 : i32
    %mul3A_95 = arith.muli %add3A_93, %mul3A_94 : i32
    %dma_start3A_96 = tpu.memref_slice %arg5[%mul3A_95] : memref<2000000xf32, #tpu.memory_space<hbm>> -> memref<8000xf32, #tpu.memory_space<hbm>>
    %dma_start3A_97 = tpu.memref_slice %arg5[%mul3A_95] : memref<2000000xf32, #tpu.memory_space<hbm>> -> memref<8000xf32, #tpu.memory_space<hbm>>
    tpu.enqueue_dma source(%arg11 : memref<8000xf32, #tpu.memory_space<vmem>>) target(%dma_start3A_97 : memref<8000xf32, #tpu.memory_space<hbm>>) target_semaphore(%arg15 : memref<!tpu.dma_semaphore, #tpu.memory_space<semaphore_mem>>)
    %add3A_98 = arith.constant 192 : i32
    %add3A_99 = arith.addi %add3A, %add3A_98 : i32
    %mul3A_100 = arith.constant 8000 : i32
    %mul3A_101 = arith.muli %add3A_99, %mul3A_100 : i32
    %dma_start3A_102 = tpu.memref_slice %arg2[%mul3A_101] : memref<2000000xi32, #tpu.memory_space<hbm>> -> memref<8000xi32, #tpu.memory_space<hbm>>
    %dma_start3A_103 = tpu.memref_slice %arg2[%mul3A_101] : memref<2000000xi32, #tpu.memory_space<hbm>> -> memref<8000xi32, #tpu.memory_space<hbm>>
    tpu.enqueue_dma source(%dma_start3A_103 : memref<8000xi32, #tpu.memory_space<hbm>>) target(%arg9 : memref<8000xi32, #tpu.memory_space<vmem>>) target_semaphore(%arg13 : memref<!tpu.dma_semaphore, #tpu.memory_space<semaphore_mem>>)
    %dma_wait3A_104 = tpu.memref_slice %arg2[%mul3A_82] : memref<2000000xi32, #tpu.memory_space<hbm>> -> memref<8000xi32, #tpu.memory_space<hbm>>
    %dma_wait3A_105 = tpu.memref_slice %arg2[%mul3A_82] : memref<2000000xi32, #tpu.memory_space<hbm>> -> memref<8000xi32, #tpu.memory_space<hbm>>
    tpu.wait_dma2 semaphore(%arg14 : memref<!tpu.dma_semaphore, #tpu.memory_space<semaphore_mem>>) src(%dma_wait3A_105 : memref<8000xi32, #tpu.memory_space<hbm>>) dst(%arg10 : memref<8000xi32, #tpu.memory_space<vmem>>)
    %dma_wait3A_106 = tpu.memref_slice %arg5[%mul3A_76] : memref<2000000xf32, #tpu.memory_space<hbm>> -> memref<8000xf32, #tpu.memory_space<hbm>>
    %dma_wait3A_107 = tpu.memref_slice %arg5[%mul3A_76] : memref<2000000xf32, #tpu.memory_space<hbm>> -> memref<8000xf32, #tpu.memory_space<hbm>>
    tpu.wait_dma2 semaphore(%arg16 : memref<!tpu.dma_semaphore, #tpu.memory_space<semaphore_mem>>) src(%arg12 : memref<8000xf32, #tpu.memory_space<vmem>>) dst(%dma_wait3A_107 : memref<8000xf32, #tpu.memory_space<hbm>>)
    %parallel_loop3A_108 = arith.constant 0 : i32
    %parallel_loop3A_109 = arith.constant 8000 : i32
    %parallel_loop3A_110 = arith.constant 16 : i32
    scf.for %parallel_loop3A_136 = %parallel_loop3A_108 to %parallel_loop3A_109 step %parallel_loop3A_110  : i32 {
      %parallel_loop3A_137 = arith.index_cast %parallel_loop3A_136 : i32 to index
      %parallel_loop3A_138 = tpu.vector_load %arg10[%parallel_loop3A_137] {strides = array<i32>} : memref<8000xi32, #tpu.memory_space<vmem>>, vector<16xi32>,
      %parallel_loop3A_139 = tpu.vector_load_idx %arg8[%parallel_loop3A_138] : memref<16384xf32, #tpu.memory_space<vmem>>[vector<16xi32>], vector<16xf32>,
      %parallel_loop3A_140 = arith.index_cast %parallel_loop3A_136 : i32 to index
      %parallel_loop3A_141 = tpu.vector_load %arg12[%parallel_loop3A_140] {strides = array<i32>} : memref<8000xf32, #tpu.memory_space<vmem>>, vector<16xf32>,
      tpu.vector_store %arg12[%parallel_loop3A_140], %parallel_loop3A_139 {strides = array<i32>} : memref<8000xf32, #tpu.memory_space<vmem>>, vector<16xf32>,
    } {sc.loop_unroll_factor = 10 : i64, sc.parallel_access}
    %add3A_111 = arith.constant 160 : i32
    %add3A_112 = arith.addi %add3A, %add3A_111 : i32
    %mul3A_113 = arith.constant 8000 : i32
    %mul3A_114 = arith.muli %add3A_112, %mul3A_113 : i32
    %dma_start3A_115 = tpu.memref_slice %arg5[%mul3A_114] : memref<2000000xf32, #tpu.memory_space<hbm>> -> memref<8000xf32, #tpu.memory_space<hbm>>
    %dma_start3A_116 = tpu.memref_slice %arg5[%mul3A_114] : memref<2000000xf32, #tpu.memory_space<hbm>> -> memref<8000xf32, #tpu.memory_space<hbm>>
    tpu.enqueue_dma source(%arg12 : memref<8000xf32, #tpu.memory_space<vmem>>) target(%dma_start3A_116 : memref<8000xf32, #tpu.memory_space<hbm>>) target_semaphore(%arg16 : memref<!tpu.dma_semaphore, #tpu.memory_space<semaphore_mem>>)
    %dma_wait3A_117 = tpu.memref_slice %arg2[%mul3A_101] : memref<2000000xi32, #tpu.memory_space<hbm>> -> memref<8000xi32, #tpu.memory_space<hbm>>
    %dma_wait3A_118 = tpu.memref_slice %arg2[%mul3A_101] : memref<2000000xi32, #tpu.memory_space<hbm>> -> memref<8000xi32, #tpu.memory_space<hbm>>
    tpu.wait_dma2 semaphore(%arg13 : memref<!tpu.dma_semaphore, #tpu.memory_space<semaphore_mem>>) src(%dma_wait3A_118 : memref<8000xi32, #tpu.memory_space<hbm>>) dst(%arg9 : memref<8000xi32, #tpu.memory_space<vmem>>)
    %dma_wait3A_119 = tpu.memref_slice %arg5[%mul3A_95] : memref<2000000xf32, #tpu.memory_space<hbm>> -> memref<8000xf32, #tpu.memory_space<hbm>>
    %dma_wait3A_120 = tpu.memref_slice %arg5[%mul3A_95] : memref<2000000xf32, #tpu.memory_space<hbm>> -> memref<8000xf32, #tpu.memory_space<hbm>>
    tpu.wait_dma2 semaphore(%arg15 : memref<!tpu.dma_semaphore, #tpu.memory_space<semaphore_mem>>) src(%arg11 : memref<8000xf32, #tpu.memory_space<vmem>>) dst(%dma_wait3A_120 : memref<8000xf32, #tpu.memory_space<hbm>>)
    %parallel_loop3A_121 = arith.constant 0 : i32
    %parallel_loop3A_122 = arith.constant 8000 : i32
    %parallel_loop3A_123 = arith.constant 16 : i32
    scf.for %parallel_loop3A_136 = %parallel_loop3A_121 to %parallel_loop3A_122 step %parallel_loop3A_123  : i32 {
      %parallel_loop3A_137 = arith.index_cast %parallel_loop3A_136 : i32 to index
      %parallel_loop3A_138 = tpu.vector_load %arg9[%parallel_loop3A_137] {strides = array<i32>} : memref<8000xi32, #tpu.memory_space<vmem>>, vector<16xi32>,
      %parallel_loop3A_139 = tpu.vector_load_idx %arg8[%parallel_loop3A_138] : memref<16384xf32, #tpu.memory_space<vmem>>[vector<16xi32>], vector<16xf32>,
      %parallel_loop3A_140 = arith.index_cast %parallel_loop3A_136 : i32 to index
      %parallel_loop3A_141 = tpu.vector_load %arg11[%parallel_loop3A_140] {strides = array<i32>} : memref<8000xf32, #tpu.memory_space<vmem>>, vector<16xf32>,
      tpu.vector_store %arg11[%parallel_loop3A_140], %parallel_loop3A_139 {strides = array<i32>} : memref<8000xf32, #tpu.memory_space<vmem>>, vector<16xf32>,
    } {sc.loop_unroll_factor = 10 : i64, sc.parallel_access}
    %add3A_124 = arith.constant 192 : i32
    %add3A_125 = arith.addi %add3A, %add3A_124 : i32
    %mul3A_126 = arith.constant 8000 : i32
    %mul3A_127 = arith.muli %add3A_125, %mul3A_126 : i32
    %dma_start3A_128 = tpu.memref_slice %arg5[%mul3A_127] : memref<2000000xf32, #tpu.memory_space<hbm>> -> memref<8000xf32, #tpu.memory_space<hbm>>
    %dma_start3A_129 = tpu.memref_slice %arg5[%mul3A_127] : memref<2000000xf32, #tpu.memory_space<hbm>> -> memref<8000xf32, #tpu.memory_space<hbm>>
    tpu.enqueue_dma source(%arg11 : memref<8000xf32, #tpu.memory_space<vmem>>) target(%dma_start3A_129 : memref<8000xf32, #tpu.memory_space<hbm>>) target_semaphore(%arg15 : memref<!tpu.dma_semaphore, #tpu.memory_space<semaphore_mem>>)
    %dma_wait3A_130 = tpu.memref_slice %arg5[%mul3A_114] : memref<2000000xf32, #tpu.memory_space<hbm>> -> memref<8000xf32, #tpu.memory_space<hbm>>
    %dma_wait3A_131 = tpu.memref_slice %arg5[%mul3A_114] : memref<2000000xf32, #tpu.memory_space<hbm>> -> memref<8000xf32, #tpu.memory_space<hbm>>
    tpu.wait_dma2 semaphore(%arg16 : memref<!tpu.dma_semaphore, #tpu.memory_space<semaphore_mem>>) src(%arg12 : memref<8000xf32, #tpu.memory_space<vmem>>) dst(%dma_wait3A_131 : memref<8000xf32, #tpu.memory_space<hbm>>)
    %dma_wait3A_132 = tpu.memref_slice %arg5[%mul3A_127] : memref<2000000xf32, #tpu.memory_space<hbm>> -> memref<8000xf32, #tpu.memory_space<hbm>>
    %dma_wait3A_133 = tpu.memref_slice %arg5[%mul3A_127] : memref<2000000xf32, #tpu.memory_space<hbm>> -> memref<8000xf32, #tpu.memory_space<hbm>>
    tpu.wait_dma2 semaphore(%arg15 : memref<!tpu.dma_semaphore, #tpu.memory_space<semaphore_mem>>) src(%arg11 : memref<8000xf32, #tpu.memory_space<vmem>>) dst(%dma_wait3A_133 : memref<8000xf32, #tpu.memory_space<hbm>>)
    %lt3A = arith.constant 26 : i32
    %lt3A_134 = arith.cmpi slt, %add3A, %lt3A : i32
    %convert_element_type3A = arith.extui %lt3A_134 : i1 to i32
    %cond3A = arith.constant 0 : i32
    %cond3A_135 = arith.cmpi ne, %convert_element_type3A, %cond3A : i32
    scf.if %cond3A_135 {
      %add3A_136 = arith.constant 224 : i32
      %add3A_137 = arith.addi %add3A_136, %add3A : i32
      %mul3A_138 = arith.constant 8000 : i32
      %mul3A_139 = arith.muli %add3A_137, %mul3A_138 : i32
      "tpu.region"() ({
        %run_scoped3A = tpu.sem_alloc : memref<!tpu.dma_semaphore, #tpu.memory_space<semaphore_mem>>
        %dma_start3A_143 = tpu.memref_slice %arg2[%mul3A_139] : memref<2000000xi32, #tpu.memory_space<hbm>> -> memref<8000xi32, #tpu.memory_space<hbm>>
        %dma_start3A_144 = tpu.memref_slice %arg2[%mul3A_139] : memref<2000000xi32, #tpu.memory_space<hbm>> -> memref<8000xi32, #tpu.memory_space<hbm>>
        tpu.enqueue_dma source(%dma_start3A_144 : memref<8000xi32, #tpu.memory_space<hbm>>) target(%arg9 : memref<8000xi32, #tpu.memory_space<vmem>>) target_semaphore(%run_scoped3A : memref<!tpu.dma_semaphore, #tpu.memory_space<semaphore_mem>>)
        %dma_wait3A_145 = tpu.memref_slice %arg2[%mul3A_139] : memref<2000000xi32, #tpu.memory_space<hbm>> -> memref<8000xi32, #tpu.memory_space<hbm>>
        %dma_wait3A_146 = tpu.memref_slice %arg2[%mul3A_139] : memref<2000000xi32, #tpu.memory_space<hbm>> -> memref<8000xi32, #tpu.memory_space<hbm>>
        tpu.wait_dma2 semaphore(%run_scoped3A : memref<!tpu.dma_semaphore, #tpu.memory_space<semaphore_mem>>) src(%dma_wait3A_146 : memref<8000xi32, #tpu.memory_space<hbm>>) dst(%arg9 : memref<8000xi32, #tpu.memory_space<vmem>>)
        tpu.yield
      }) : () -> ()
      %parallel_loop3A_140 = arith.constant 0 : i32
      %parallel_loop3A_141 = arith.constant 8000 : i32
      %parallel_loop3A_142 = arith.constant 16 : i32
      scf.for %parallel_loop3A_143 = %parallel_loop3A_140 to %parallel_loop3A_141 step %parallel_loop3A_142  : i32 {
        %parallel_loop3A_144 = arith.index_cast %parallel_loop3A_143 : i32 to index
        %parallel_loop3A_145 = tpu.vector_load %arg9[%parallel_loop3A_144] {strides = array<i32>} : memref<8000xi32, #tpu.memory_space<vmem>>, vector<16xi32>,
        %parallel_loop3A_146 = tpu.vector_load_idx %arg8[%parallel_loop3A_145] : memref<16384xf32, #tpu.memory_space<vmem>>[vector<16xi32>], vector<16xf32>,
        %parallel_loop3A_147 = arith.index_cast %parallel_loop3A_143 : i32 to index
        %parallel_loop3A_148 = tpu.vector_load %arg11[%parallel_loop3A_147] {strides = array<i32>} : memref<8000xf32, #tpu.memory_space<vmem>>, vector<16xf32>,
        tpu.vector_store %arg11[%parallel_loop3A_147], %parallel_loop3A_146 {strides = array<i32>} : memref<8000xf32, #tpu.memory_space<vmem>>, vector<16xf32>,
      } {sc.loop_unroll_factor = 10 : i64, sc.parallel_access}
      "tpu.region"() ({
        %run_scoped3A = tpu.sem_alloc : memref<!tpu.dma_semaphore, #tpu.memory_space<semaphore_mem>>
        %dma_start3A_143 = tpu.memref_slice %arg5[%mul3A_139] : memref<2000000xf32, #tpu.memory_space<hbm>> -> memref<8000xf32, #tpu.memory_space<hbm>>
        %dma_start3A_144 = tpu.memref_slice %arg5[%mul3A_139] : memref<2000000xf32, #tpu.memory_space<hbm>> -> memref<8000xf32, #tpu.memory_space<hbm>>
        tpu.enqueue_dma source(%arg11 : memref<8000xf32, #tpu.memory_space<vmem>>) target(%dma_start3A_144 : memref<8000xf32, #tpu.memory_space<hbm>>) target_semaphore(%run_scoped3A : memref<!tpu.dma_semaphore, #tpu.memory_space<semaphore_mem>>)
        %dma_wait3A_145 = tpu.memref_slice %arg5[%mul3A_139] : memref<2000000xf32, #tpu.memory_space<hbm>> -> memref<8000xf32, #tpu.memory_space<hbm>>
        %dma_wait3A_146 = tpu.memref_slice %arg5[%mul3A_139] : memref<2000000xf32, #tpu.memory_space<hbm>> -> memref<8000xf32, #tpu.memory_space<hbm>>
        tpu.wait_dma2 semaphore(%run_scoped3A : memref<!tpu.dma_semaphore, #tpu.memory_space<semaphore_mem>>) src(%arg11 : memref<8000xf32, #tpu.memory_space<vmem>>) dst(%dma_wait3A_146 : memref<8000xf32, #tpu.memory_space<hbm>>)
        tpu.yield
      }) : () -> ()
    } else {
    }
    return
  }
}

#map = affine_map<(d0, d1) -> (0)>
module attributes {stable_mosaic.version = 14 : i64} {
  func.func @k(%arg0: i32, %arg1: i32, %arg2: memref<2000000xi32, #tpu.memory_space<hbm>>, %arg3: memref<16384xi32, #tpu.memory_space<hbm>>, %arg4: memref<500xf32, #tpu.memory_space<hbm>>, %arg5: memref<2000000xf32, #tpu.memory_space<hbm>>, %arg6: memref<16384xi32, #tpu.memory_space<vmem>>, %arg7: memref<500xf32, #tpu.memory_space<vmem>>, %arg8: memref<16384xf32, #tpu.memory_space<vmem>>, %arg9: memref<8000xi32, #tpu.memory_space<vmem>>, %arg10: memref<8000xi32, #tpu.memory_space<vmem>>, %arg11: memref<8000xf32, #tpu.memory_space<vmem>>, %arg12: memref<8000xf32, #tpu.memory_space<vmem>>, %arg13: memref<!tpu.dma_semaphore, #tpu.memory_space<semaphore_mem>>, %arg14: memref<!tpu.dma_semaphore, #tpu.memory_space<semaphore_mem>>, %arg15: memref<!tpu.dma_semaphore, #tpu.memory_space<semaphore_mem>>, %arg16: memref<!tpu.dma_semaphore, #tpu.memory_space<semaphore_mem>>) attributes {dimension_semantics = [#tpu.dimension_semantics<core_parallel>, #tpu.dimension_semantics<subcore_parallel>], iteration_bounds = array<i64: 2, 16>, scalar_prefetch = 0 : i64, scratch_operands = 11 : i64, tpu.core_type = #tpu.core_type<sc_vector_subcore>, window_params = [{transform_indices = #map}, {transform_indices = #map}, {transform_indices = #map}, {transform_indices = #map}]} {
    %mul3A = arith.constant 2 : i32
    %mul3A_0 = arith.muli %arg1, %mul3A : i32
    %add3A = arith.addi %mul3A_0, %arg0 : i32
    %add3A_1 = arith.constant 0 : i32
    %add3A_2 = arith.addi %add3A, %add3A_1 : i32
    %mul3A_3 = arith.constant 8000 : i32
    %mul3A_4 = arith.muli %add3A_2, %mul3A_3 : i32
    %dma_start3A = tpu.memref_slice %arg2[%mul3A_4] : memref<2000000xi32, #tpu.memory_space<hbm>> -> memref<8000xi32, #tpu.memory_space<hbm>>
    %dma_start3A_5 = tpu.memref_slice %arg2[%mul3A_4] : memref<2000000xi32, #tpu.memory_space<hbm>> -> memref<8000xi32, #tpu.memory_space<hbm>>
    tpu.enqueue_dma source(%dma_start3A_5 : memref<8000xi32, #tpu.memory_space<hbm>>) target(%arg9 : memref<8000xi32, #tpu.memory_space<vmem>>) target_semaphore(%arg13 : memref<!tpu.dma_semaphore, #tpu.memory_space<semaphore_mem>>)
    "tpu.region"() ({
      %run_scoped3A = tpu.sem_alloc : memref<!tpu.dma_semaphore, #tpu.memory_space<semaphore_mem>>
      tpu.enqueue_dma source(%arg3 : memref<16384xi32, #tpu.memory_space<hbm>>) target(%arg6 : memref<16384xi32, #tpu.memory_space<vmem>>) target_semaphore(%run_scoped3A : memref<!tpu.dma_semaphore, #tpu.memory_space<semaphore_mem>>)
      tpu.wait_dma2 semaphore(%run_scoped3A : memref<!tpu.dma_semaphore, #tpu.memory_space<semaphore_mem>>) src(%arg3 : memref<16384xi32, #tpu.memory_space<hbm>>) dst(%arg6 : memref<16384xi32, #tpu.memory_space<vmem>>)
      tpu.yield
    }) : () -> ()
    "tpu.region"() ({
      %run_scoped3A = tpu.sem_alloc : memref<!tpu.dma_semaphore, #tpu.memory_space<semaphore_mem>>
      tpu.enqueue_dma source(%arg4 : memref<500xf32, #tpu.memory_space<hbm>>) target(%arg7 : memref<500xf32, #tpu.memory_space<vmem>>) target_semaphore(%run_scoped3A : memref<!tpu.dma_semaphore, #tpu.memory_space<semaphore_mem>>)
      tpu.wait_dma2 semaphore(%run_scoped3A : memref<!tpu.dma_semaphore, #tpu.memory_space<semaphore_mem>>) src(%arg4 : memref<500xf32, #tpu.memory_space<hbm>>) dst(%arg7 : memref<500xf32, #tpu.memory_space<vmem>>)
      tpu.yield
    }) : () -> ()
    %parallel_loop3A = arith.constant 0 : i32
    %parallel_loop3A_6 = arith.constant 16384 : i32
    %parallel_loop3A_7 = arith.constant 16 : i32
    scf.for %parallel_loop3A_136 = %parallel_loop3A to %parallel_loop3A_6 step %parallel_loop3A_7  : i32 {
      %parallel_loop3A_137 = arith.index_cast %parallel_loop3A_136 : i32 to index
      %parallel_loop3A_138 = tpu.vector_load %arg6[%parallel_loop3A_137] {strides = array<i32>} : memref<16384xi32, #tpu.memory_space<vmem>>, vector<16xi32>,
      %parallel_loop3A_139 = tpu.vector_load_idx %arg7[%parallel_loop3A_138] : memref<500xf32, #tpu.memory_space<vmem>>[vector<16xi32>], vector<16xf32>,
      %parallel_loop3A_140 = arith.index_cast %parallel_loop3A_136 : i32 to index
      %parallel_loop3A_141 = tpu.vector_load %arg8[%parallel_loop3A_140] {strides = array<i32>} : memref<16384xf32, #tpu.memory_space<vmem>>, vector<16xf32>,
      tpu.vector_store %arg8[%parallel_loop3A_140], %parallel_loop3A_139 {strides = array<i32>} : memref<16384xf32, #tpu.memory_space<vmem>>, vector<16xf32>,
    } {sc.loop_unroll_factor = 8 : i64, sc.parallel_access}
    %add3A_8 = arith.constant 32 : i32
    %add3A_9 = arith.addi %add3A, %add3A_8 : i32
    %mul3A_10 = arith.constant 8000 : i32
    %mul3A_11 = arith.muli %add3A_9, %mul3A_10 : i32
    %dma_start3A_12 = tpu.memref_slice %arg2[%mul3A_11] : memref<2000000xi32, #tpu.memory_space<hbm>> -> memref<8000xi32, #tpu.memory_space<hbm>>
    %dma_start3A_13 = tpu.memref_slice %arg2[%mul3A_11] : memref<2000000xi32, #tpu.memory_space<hbm>> -> memref<8000xi32, #tpu.memory_space<hbm>>
    tpu.enqueue_dma source(%dma_start3A_13 : memref<8000xi32, #tpu.memory_space<hbm>>) target(%arg10 : memref<8000xi32, #tpu.memory_space<vmem>>) target_semaphore(%arg14 : memref<!tpu.dma_semaphore, #tpu.memory_space<semaphore_mem>>)
    %dma_wait3A = tpu.memref_slice %arg2[%mul3A_4] : memref<2000000xi32, #tpu.memory_space<hbm>> -> memref<8000xi32, #tpu.memory_space<hbm>>
    %dma_wait3A_14 = tpu.memref_slice %arg2[%mul3A_4] : memref<2000000xi32, #tpu.memory_space<hbm>> -> memref<8000xi32, #tpu.memory_space<hbm>>
    tpu.wait_dma2 semaphore(%arg13 : memref<!tpu.dma_semaphore, #tpu.memory_space<semaphore_mem>>) src(%dma_wait3A_14 : memref<8000xi32, #tpu.memory_space<hbm>>) dst(%arg9 : memref<8000xi32, #tpu.memory_space<vmem>>)
    %parallel_loop3A_15 = arith.constant 0 : i32
    %parallel_loop3A_16 = arith.constant 8000 : i32
    %parallel_loop3A_17 = arith.constant 16 : i32
    scf.for %parallel_loop3A_136 = %parallel_loop3A_15 to %parallel_loop3A_16 step %parallel_loop3A_17  : i32 {
      %parallel_loop3A_137 = arith.index_cast %parallel_loop3A_136 : i32 to index
      %parallel_loop3A_138 = tpu.vector_load %arg9[%parallel_loop3A_137] {strides = array<i32>} : memref<8000xi32, #tpu.memory_space<vmem>>, vector<16xi32>,
      %parallel_loop3A_139 = tpu.vector_load_idx %arg8[%parallel_loop3A_138] : memref<16384xf32, #tpu.memory_space<vmem>>[vector<16xi32>], vector<16xf32>,
      %parallel_loop3A_140 = arith.index_cast %parallel_loop3A_136 : i32 to index
      %parallel_loop3A_141 = tpu.vector_load %arg11[%parallel_loop3A_140] {strides = array<i32>} : memref<8000xf32, #tpu.memory_space<vmem>>, vector<16xf32>,
      tpu.vector_store %arg11[%parallel_loop3A_140], %parallel_loop3A_139 {strides = array<i32>} : memref<8000xf32, #tpu.memory_space<vmem>>, vector<16xf32>,
    } {sc.loop_unroll_factor = 10 : i64, sc.parallel_access}
    %add3A_18 = arith.constant 0 : i32
    %add3A_19 = arith.addi %add3A, %add3A_18 : i32
    %mul3A_20 = arith.constant 8000 : i32
    %mul3A_21 = arith.muli %add3A_19, %mul3A_20 : i32
    %dma_start3A_22 = tpu.memref_slice %arg5[%mul3A_21] : memref<2000000xf32, #tpu.memory_space<hbm>> -> memref<8000xf32, #tpu.memory_space<hbm>>
    %dma_start3A_23 = tpu.memref_slice %arg5[%mul3A_21] : memref<2000000xf32, #tpu.memory_space<hbm>> -> memref<8000xf32, #tpu.memory_space<hbm>>
    tpu.enqueue_dma source(%arg11 : memref<8000xf32, #tpu.memory_space<vmem>>) target(%dma_start3A_23 : memref<8000xf32, #tpu.memory_space<hbm>>) target_semaphore(%arg15 : memref<!tpu.dma_semaphore, #tpu.memory_space<semaphore_mem>>)
    %add3A_24 = arith.constant 64 : i32
    %add3A_25 = arith.addi %add3A, %add3A_24 : i32
    %mul3A_26 = arith.constant 8000 : i32
    %mul3A_27 = arith.muli %add3A_25, %mul3A_26 : i32
    %dma_start3A_28 = tpu.memref_slice %arg2[%mul3A_27] : memref<2000000xi32, #tpu.memory_space<hbm>> -> memref<8000xi32, #tpu.memory_space<hbm>>
    %dma_start3A_29 = tpu.memref_slice %arg2[%mul3A_27] : memref<2000000xi32, #tpu.memory_space<hbm>> -> memref<8000xi32, #tpu.memory_space<hbm>>
    tpu.enqueue_dma source(%dma_start3A_29 : memref<8000xi32, #tpu.memory_space<hbm>>) target(%arg9 : memref<8000xi32, #tpu.memory_space<vmem>>) target_semaphore(%arg13 : memref<!tpu.dma_semaphore, #tpu.memory_space<semaphore_mem>>)
    %dma_wait3A_30 = tpu.memref_slice %arg2[%mul3A_11] : memref<2000000xi32, #tpu.memory_space<hbm>> -> memref<8000xi32, #tpu.memory_space<hbm>>
    %dma_wait3A_31 = tpu.memref_slice %arg2[%mul3A_11] : memref<2000000xi32, #tpu.memory_space<hbm>> -> memref<8000xi32, #tpu.memory_space<hbm>>
    tpu.wait_dma2 semaphore(%arg14 : memref<!tpu.dma_semaphore, #tpu.memory_space<semaphore_mem>>) src(%dma_wait3A_31 : memref<8000xi32, #tpu.memory_space<hbm>>) dst(%arg10 : memref<8000xi32, #tpu.memory_space<vmem>>)
    %parallel_loop3A_32 = arith.constant 0 : i32
    %parallel_loop3A_33 = arith.constant 8000 : i32
    %parallel_loop3A_34 = arith.constant 16 : i32
    scf.for %parallel_loop3A_136 = %parallel_loop3A_32 to %parallel_loop3A_33 step %parallel_loop3A_34  : i32 {
      %parallel_loop3A_137 = arith.index_cast %parallel_loop3A_136 : i32 to index
      %parallel_loop3A_138 = tpu.vector_load %arg10[%parallel_loop3A_137] {strides = array<i32>} : memref<8000xi32, #tpu.memory_space<vmem>>, vector<16xi32>,
      %parallel_loop3A_139 = tpu.vector_load_idx %arg8[%parallel_loop3A_138] : memref<16384xf32, #tpu.memory_space<vmem>>[vector<16xi32>], vector<16xf32>,
      %parallel_loop3A_140 = arith.index_cast %parallel_loop3A_136 : i32 to index
      %parallel_loop3A_141 = tpu.vector_load %arg12[%parallel_loop3A_140] {strides = array<i32>} : memref<8000xf32, #tpu.memory_space<vmem>>, vector<16xf32>,
      tpu.vector_store %arg12[%parallel_loop3A_140], %parallel_loop3A_139 {strides = array<i32>} : memref<8000xf32, #tpu.memory_space<vmem>>, vector<16xf32>,
    } {sc.loop_unroll_factor = 10 : i64, sc.parallel_access}
    %add3A_35 = arith.constant 32 : i32
    %add3A_36 = arith.addi %add3A, %add3A_35 : i32
    %mul3A_37 = arith.constant 8000 : i32
    %mul3A_38 = arith.muli %add3A_36, %mul3A_37 : i32
    %dma_start3A_39 = tpu.memref_slice %arg5[%mul3A_38] : memref<2000000xf32, #tpu.memory_space<hbm>> -> memref<8000xf32, #tpu.memory_space<hbm>>
    %dma_start3A_40 = tpu.memref_slice %arg5[%mul3A_38] : memref<2000000xf32, #tpu.memory_space<hbm>> -> memref<8000xf32, #tpu.memory_space<hbm>>
    tpu.enqueue_dma source(%arg12 : memref<8000xf32, #tpu.memory_space<vmem>>) target(%dma_start3A_40 : memref<8000xf32, #tpu.memory_space<hbm>>) target_semaphore(%arg16 : memref<!tpu.dma_semaphore, #tpu.memory_space<semaphore_mem>>)
    %add3A_41 = arith.constant 96 : i32
    %add3A_42 = arith.addi %add3A, %add3A_41 : i32
    %mul3A_43 = arith.constant 8000 : i32
    %mul3A_44 = arith.muli %add3A_42, %mul3A_43 : i32
    %dma_start3A_45 = tpu.memref_slice %arg2[%mul3A_44] : memref<2000000xi32, #tpu.memory_space<hbm>> -> memref<8000xi32, #tpu.memory_space<hbm>>
    %dma_start3A_46 = tpu.memref_slice %arg2[%mul3A_44] : memref<2000000xi32, #tpu.memory_space<hbm>> -> memref<8000xi32, #tpu.memory_space<hbm>>
    tpu.enqueue_dma source(%dma_start3A_46 : memref<8000xi32, #tpu.memory_space<hbm>>) target(%arg10 : memref<8000xi32, #tpu.memory_space<vmem>>) target_semaphore(%arg14 : memref<!tpu.dma_semaphore, #tpu.memory_space<semaphore_mem>>)
    %dma_wait3A_47 = tpu.memref_slice %arg2[%mul3A_27] : memref<2000000xi32, #tpu.memory_space<hbm>> -> memref<8000xi32, #tpu.memory_space<hbm>>
    %dma_wait3A_48 = tpu.memref_slice %arg2[%mul3A_27] : memref<2000000xi32, #tpu.memory_space<hbm>> -> memref<8000xi32, #tpu.memory_space<hbm>>
    tpu.wait_dma2 semaphore(%arg13 : memref<!tpu.dma_semaphore, #tpu.memory_space<semaphore_mem>>) src(%dma_wait3A_48 : memref<8000xi32, #tpu.memory_space<hbm>>) dst(%arg9 : memref<8000xi32, #tpu.memory_space<vmem>>)
    %dma_wait3A_49 = tpu.memref_slice %arg5[%mul3A_21] : memref<2000000xf32, #tpu.memory_space<hbm>> -> memref<8000xf32, #tpu.memory_space<hbm>>
    %dma_wait3A_50 = tpu.memref_slice %arg5[%mul3A_21] : memref<2000000xf32, #tpu.memory_space<hbm>> -> memref<8000xf32, #tpu.memory_space<hbm>>
    tpu.wait_dma2 semaphore(%arg15 : memref<!tpu.dma_semaphore, #tpu.memory_space<semaphore_mem>>) src(%arg11 : memref<8000xf32, #tpu.memory_space<vmem>>) dst(%dma_wait3A_50 : memref<8000xf32, #tpu.memory_space<hbm>>)
    %parallel_loop3A_51 = arith.constant 0 : i32
    %parallel_loop3A_52 = arith.constant 8000 : i32
    %parallel_loop3A_53 = arith.constant 16 : i32
    scf.for %parallel_loop3A_136 = %parallel_loop3A_51 to %parallel_loop3A_52 step %parallel_loop3A_53  : i32 {
      %parallel_loop3A_137 = arith.index_cast %parallel_loop3A_136 : i32 to index
      %parallel_loop3A_138 = tpu.vector_load %arg9[%parallel_loop3A_137] {strides = array<i32>} : memref<8000xi32, #tpu.memory_space<vmem>>, vector<16xi32>,
      %parallel_loop3A_139 = tpu.vector_load_idx %arg8[%parallel_loop3A_138] : memref<16384xf32, #tpu.memory_space<vmem>>[vector<16xi32>], vector<16xf32>,
      %parallel_loop3A_140 = arith.index_cast %parallel_loop3A_136 : i32 to index
      %parallel_loop3A_141 = tpu.vector_load %arg11[%parallel_loop3A_140] {strides = array<i32>} : memref<8000xf32, #tpu.memory_space<vmem>>, vector<16xf32>,
      tpu.vector_store %arg11[%parallel_loop3A_140], %parallel_loop3A_139 {strides = array<i32>} : memref<8000xf32, #tpu.memory_space<vmem>>, vector<16xf32>,
    } {sc.loop_unroll_factor = 10 : i64, sc.parallel_access}
    %add3A_54 = arith.constant 64 : i32
    %add3A_55 = arith.addi %add3A, %add3A_54 : i32
    %mul3A_56 = arith.constant 8000 : i32
    %mul3A_57 = arith.muli %add3A_55, %mul3A_56 : i32
    %dma_start3A_58 = tpu.memref_slice %arg5[%mul3A_57] : memref<2000000xf32, #tpu.memory_space<hbm>> -> memref<8000xf32, #tpu.memory_space<hbm>>
    %dma_start3A_59 = tpu.memref_slice %arg5[%mul3A_57] : memref<2000000xf32, #tpu.memory_space<hbm>> -> memref<8000xf32, #tpu.memory_space<hbm>>
    tpu.enqueue_dma source(%arg11 : memref<8000xf32, #tpu.memory_space<vmem>>) target(%dma_start3A_59 : memref<8000xf32, #tpu.memory_space<hbm>>) target_semaphore(%arg15 : memref<!tpu.dma_semaphore, #tpu.memory_space<semaphore_mem>>)
    %add3A_60 = arith.constant 128 : i32
    %add3A_61 = arith.addi %add3A, %add3A_60 : i32
    %mul3A_62 = arith.constant 8000 : i32
    %mul3A_63 = arith.muli %add3A_61, %mul3A_62 : i32
    %dma_start3A_64 = tpu.memref_slice %arg2[%mul3A_63] : memref<2000000xi32, #tpu.memory_space<hbm>> -> memref<8000xi32, #tpu.memory_space<hbm>>
    %dma_start3A_65 = tpu.memref_slice %arg2[%mul3A_63] : memref<2000000xi32, #tpu.memory_space<hbm>> -> memref<8000xi32, #tpu.memory_space<hbm>>
    tpu.enqueue_dma source(%dma_start3A_65 : memref<8000xi32, #tpu.memory_space<hbm>>) target(%arg9 : memref<8000xi32, #tpu.memory_space<vmem>>) target_semaphore(%arg13 : memref<!tpu.dma_semaphore, #tpu.memory_space<semaphore_mem>>)
    %dma_wait3A_66 = tpu.memref_slice %arg2[%mul3A_44] : memref<2000000xi32, #tpu.memory_space<hbm>> -> memref<8000xi32, #tpu.memory_space<hbm>>
    %dma_wait3A_67 = tpu.memref_slice %arg2[%mul3A_44] : memref<2000000xi32, #tpu.memory_space<hbm>> -> memref<8000xi32, #tpu.memory_space<hbm>>
    tpu.wait_dma2 semaphore(%arg14 : memref<!tpu.dma_semaphore, #tpu.memory_space<semaphore_mem>>) src(%dma_wait3A_67 : memref<8000xi32, #tpu.memory_space<hbm>>) dst(%arg10 : memref<8000xi32, #tpu.memory_space<vmem>>)
    %dma_wait3A_68 = tpu.memref_slice %arg5[%mul3A_38] : memref<2000000xf32, #tpu.memory_space<hbm>> -> memref<8000xf32, #tpu.memory_space<hbm>>
    %dma_wait3A_69 = tpu.memref_slice %arg5[%mul3A_38] : memref<2000000xf32, #tpu.memory_space<hbm>> -> memref<8000xf32, #tpu.memory_space<hbm>>
    tpu.wait_dma2 semaphore(%arg16 : memref<!tpu.dma_semaphore, #tpu.memory_space<semaphore_mem>>) src(%arg12 : memref<8000xf32, #tpu.memory_space<vmem>>) dst(%dma_wait3A_69 : memref<8000xf32, #tpu.memory_space<hbm>>)
    %parallel_loop3A_70 = arith.constant 0 : i32
    %parallel_loop3A_71 = arith.constant 8000 : i32
    %parallel_loop3A_72 = arith.constant 16 : i32
    scf.for %parallel_loop3A_136 = %parallel_loop3A_70 to %parallel_loop3A_71 step %parallel_loop3A_72  : i32 {
      %parallel_loop3A_137 = arith.index_cast %parallel_loop3A_136 : i32 to index
      %parallel_loop3A_138 = tpu.vector_load %arg10[%parallel_loop3A_137] {strides = array<i32>} : memref<8000xi32, #tpu.memory_space<vmem>>, vector<16xi32>,
      %parallel_loop3A_139 = tpu.vector_load_idx %arg8[%parallel_loop3A_138] : memref<16384xf32, #tpu.memory_space<vmem>>[vector<16xi32>], vector<16xf32>,
      %parallel_loop3A_140 = arith.index_cast %parallel_loop3A_136 : i32 to index
      %parallel_loop3A_141 = tpu.vector_load %arg12[%parallel_loop3A_140] {strides = array<i32>} : memref<8000xf32, #tpu.memory_space<vmem>>, vector<16xf32>,
      tpu.vector_store %arg12[%parallel_loop3A_140], %parallel_loop3A_139 {strides = array<i32>} : memref<8000xf32, #tpu.memory_space<vmem>>, vector<16xf32>,
    } {sc.loop_unroll_factor = 10 : i64, sc.parallel_access}
    %add3A_73 = arith.constant 96 : i32
    %add3A_74 = arith.addi %add3A, %add3A_73 : i32
    %mul3A_75 = arith.constant 8000 : i32
    %mul3A_76 = arith.muli %add3A_74, %mul3A_75 : i32
    %dma_start3A_77 = tpu.memref_slice %arg5[%mul3A_76] : memref<2000000xf32, #tpu.memory_space<hbm>> -> memref<8000xf32, #tpu.memory_space<hbm>>
    %dma_start3A_78 = tpu.memref_slice %arg5[%mul3A_76] : memref<2000000xf32, #tpu.memory_space<hbm>> -> memref<8000xf32, #tpu.memory_space<hbm>>
    tpu.enqueue_dma source(%arg12 : memref<8000xf32, #tpu.memory_space<vmem>>) target(%dma_start3A_78 : memref<8000xf32, #tpu.memory_space<hbm>>) target_semaphore(%arg16 : memref<!tpu.dma_semaphore, #tpu.memory_space<semaphore_mem>>)
    %add3A_79 = arith.constant 160 : i32
    %add3A_80 = arith.addi %add3A, %add3A_79 : i32
    %mul3A_81 = arith.constant 8000 : i32
    %mul3A_82 = arith.muli %add3A_80, %mul3A_81 : i32
    %dma_start3A_83 = tpu.memref_slice %arg2[%mul3A_82] : memref<2000000xi32, #tpu.memory_space<hbm>> -> memref<8000xi32, #tpu.memory_space<hbm>>
    %dma_start3A_84 = tpu.memref_slice %arg2[%mul3A_82] : memref<2000000xi32, #tpu.memory_space<hbm>> -> memref<8000xi32, #tpu.memory_space<hbm>>
    tpu.enqueue_dma source(%dma_start3A_84 : memref<8000xi32, #tpu.memory_space<hbm>>) target(%arg10 : memref<8000xi32, #tpu.memory_space<vmem>>) target_semaphore(%arg14 : memref<!tpu.dma_semaphore, #tpu.memory_space<semaphore_mem>>)
    %dma_wait3A_85 = tpu.memref_slice %arg2[%mul3A_63] : memref<2000000xi32, #tpu.memory_space<hbm>> -> memref<8000xi32, #tpu.memory_space<hbm>>
    %dma_wait3A_86 = tpu.memref_slice %arg2[%mul3A_63] : memref<2000000xi32, #tpu.memory_space<hbm>> -> memref<8000xi32, #tpu.memory_space<hbm>>
    tpu.wait_dma2 semaphore(%arg13 : memref<!tpu.dma_semaphore, #tpu.memory_space<semaphore_mem>>) src(%dma_wait3A_86 : memref<8000xi32, #tpu.memory_space<hbm>>) dst(%arg9 : memref<8000xi32, #tpu.memory_space<vmem>>)
    %dma_wait3A_87 = tpu.memref_slice %arg5[%mul3A_57] : memref<2000000xf32, #tpu.memory_space<hbm>> -> memref<8000xf32, #tpu.memory_space<hbm>>
    %dma_wait3A_88 = tpu.memref_slice %arg5[%mul3A_57] : memref<2000000xf32, #tpu.memory_space<hbm>> -> memref<8000xf32, #tpu.memory_space<hbm>>
    tpu.wait_dma2 semaphore(%arg15 : memref<!tpu.dma_semaphore, #tpu.memory_space<semaphore_mem>>) src(%arg11 : memref<8000xf32, #tpu.memory_space<vmem>>) dst(%dma_wait3A_88 : memref<8000xf32, #tpu.memory_space<hbm>>)
    %parallel_loop3A_89 = arith.constant 0 : i32
    %parallel_loop3A_90 = arith.constant 8000 : i32
    %parallel_loop3A_91 = arith.constant 16 : i32
    scf.for %parallel_loop3A_136 = %parallel_loop3A_89 to %parallel_loop3A_90 step %parallel_loop3A_91  : i32 {
      %parallel_loop3A_137 = arith.index_cast %parallel_loop3A_136 : i32 to index
      %parallel_loop3A_138 = tpu.vector_load %arg9[%parallel_loop3A_137] {strides = array<i32>} : memref<8000xi32, #tpu.memory_space<vmem>>, vector<16xi32>,
      %parallel_loop3A_139 = tpu.vector_load_idx %arg8[%parallel_loop3A_138] : memref<16384xf32, #tpu.memory_space<vmem>>[vector<16xi32>], vector<16xf32>,
      %parallel_loop3A_140 = arith.index_cast %parallel_loop3A_136 : i32 to index
      %parallel_loop3A_141 = tpu.vector_load %arg11[%parallel_loop3A_140] {strides = array<i32>} : memref<8000xf32, #tpu.memory_space<vmem>>, vector<16xf32>,
      tpu.vector_store %arg11[%parallel_loop3A_140], %parallel_loop3A_139 {strides = array<i32>} : memref<8000xf32, #tpu.memory_space<vmem>>, vector<16xf32>,
    } {sc.loop_unroll_factor = 10 : i64, sc.parallel_access}
    %add3A_92 = arith.constant 128 : i32
    %add3A_93 = arith.addi %add3A, %add3A_92 : i32
    %mul3A_94 = arith.constant 8000 : i32
    %mul3A_95 = arith.muli %add3A_93, %mul3A_94 : i32
    %dma_start3A_96 = tpu.memref_slice %arg5[%mul3A_95] : memref<2000000xf32, #tpu.memory_space<hbm>> -> memref<8000xf32, #tpu.memory_space<hbm>>
    %dma_start3A_97 = tpu.memref_slice %arg5[%mul3A_95] : memref<2000000xf32, #tpu.memory_space<hbm>> -> memref<8000xf32, #tpu.memory_space<hbm>>
    tpu.enqueue_dma source(%arg11 : memref<8000xf32, #tpu.memory_space<vmem>>) target(%dma_start3A_97 : memref<8000xf32, #tpu.memory_space<hbm>>) target_semaphore(%arg15 : memref<!tpu.dma_semaphore, #tpu.memory_space<semaphore_mem>>)
    %add3A_98 = arith.constant 192 : i32
    %add3A_99 = arith.addi %add3A, %add3A_98 : i32
    %mul3A_100 = arith.constant 8000 : i32
    %mul3A_101 = arith.muli %add3A_99, %mul3A_100 : i32
    %dma_start3A_102 = tpu.memref_slice %arg2[%mul3A_101] : memref<2000000xi32, #tpu.memory_space<hbm>> -> memref<8000xi32, #tpu.memory_space<hbm>>
    %dma_start3A_103 = tpu.memref_slice %arg2[%mul3A_101] : memref<2000000xi32, #tpu.memory_space<hbm>> -> memref<8000xi32, #tpu.memory_space<hbm>>
    tpu.enqueue_dma source(%dma_start3A_103 : memref<8000xi32, #tpu.memory_space<hbm>>) target(%arg9 : memref<8000xi32, #tpu.memory_space<vmem>>) target_semaphore(%arg13 : memref<!tpu.dma_semaphore, #tpu.memory_space<semaphore_mem>>)
    %dma_wait3A_104 = tpu.memref_slice %arg2[%mul3A_82] : memref<2000000xi32, #tpu.memory_space<hbm>> -> memref<8000xi32, #tpu.memory_space<hbm>>
    %dma_wait3A_105 = tpu.memref_slice %arg2[%mul3A_82] : memref<2000000xi32, #tpu.memory_space<hbm>> -> memref<8000xi32, #tpu.memory_space<hbm>>
    tpu.wait_dma2 semaphore(%arg14 : memref<!tpu.dma_semaphore, #tpu.memory_space<semaphore_mem>>) src(%dma_wait3A_105 : memref<8000xi32, #tpu.memory_space<hbm>>) dst(%arg10 : memref<8000xi32, #tpu.memory_space<vmem>>)
    %dma_wait3A_106 = tpu.memref_slice %arg5[%mul3A_76] : memref<2000000xf32, #tpu.memory_space<hbm>> -> memref<8000xf32, #tpu.memory_space<hbm>>
    %dma_wait3A_107 = tpu.memref_slice %arg5[%mul3A_76] : memref<2000000xf32, #tpu.memory_space<hbm>> -> memref<8000xf32, #tpu.memory_space<hbm>>
    tpu.wait_dma2 semaphore(%arg16 : memref<!tpu.dma_semaphore, #tpu.memory_space<semaphore_mem>>) src(%arg12 : memref<8000xf32, #tpu.memory_space<vmem>>) dst(%dma_wait3A_107 : memref<8000xf32, #tpu.memory_space<hbm>>)
    %parallel_loop3A_108 = arith.constant 0 : i32
    %parallel_loop3A_109 = arith.constant 8000 : i32
    %parallel_loop3A_110 = arith.constant 16 : i32
    scf.for %parallel_loop3A_136 = %parallel_loop3A_108 to %parallel_loop3A_109 step %parallel_loop3A_110  : i32 {
      %parallel_loop3A_137 = arith.index_cast %parallel_loop3A_136 : i32 to index
      %parallel_loop3A_138 = tpu.vector_load %arg10[%parallel_loop3A_137] {strides = array<i32>} : memref<8000xi32, #tpu.memory_space<vmem>>, vector<16xi32>,
      %parallel_loop3A_139 = tpu.vector_load_idx %arg8[%parallel_loop3A_138] : memref<16384xf32, #tpu.memory_space<vmem>>[vector<16xi32>], vector<16xf32>,
      %parallel_loop3A_140 = arith.index_cast %parallel_loop3A_136 : i32 to index
      %parallel_loop3A_141 = tpu.vector_load %arg12[%parallel_loop3A_140] {strides = array<i32>} : memref<8000xf32, #tpu.memory_space<vmem>>, vector<16xf32>,
      tpu.vector_store %arg12[%parallel_loop3A_140], %parallel_loop3A_139 {strides = array<i32>} : memref<8000xf32, #tpu.memory_space<vmem>>, vector<16xf32>,
    } {sc.loop_unroll_factor = 10 : i64, sc.parallel_access}
    %add3A_111 = arith.constant 160 : i32
    %add3A_112 = arith.addi %add3A, %add3A_111 : i32
    %mul3A_113 = arith.constant 8000 : i32
    %mul3A_114 = arith.muli %add3A_112, %mul3A_113 : i32
    %dma_start3A_115 = tpu.memref_slice %arg5[%mul3A_114] : memref<2000000xf32, #tpu.memory_space<hbm>> -> memref<8000xf32, #tpu.memory_space<hbm>>
    %dma_start3A_116 = tpu.memref_slice %arg5[%mul3A_114] : memref<2000000xf32, #tpu.memory_space<hbm>> -> memref<8000xf32, #tpu.memory_space<hbm>>
    tpu.enqueue_dma source(%arg12 : memref<8000xf32, #tpu.memory_space<vmem>>) target(%dma_start3A_116 : memref<8000xf32, #tpu.memory_space<hbm>>) target_semaphore(%arg16 : memref<!tpu.dma_semaphore, #tpu.memory_space<semaphore_mem>>)
    %dma_wait3A_117 = tpu.memref_slice %arg2[%mul3A_101] : memref<2000000xi32, #tpu.memory_space<hbm>> -> memref<8000xi32, #tpu.memory_space<hbm>>
    %dma_wait3A_118 = tpu.memref_slice %arg2[%mul3A_101] : memref<2000000xi32, #tpu.memory_space<hbm>> -> memref<8000xi32, #tpu.memory_space<hbm>>
    tpu.wait_dma2 semaphore(%arg13 : memref<!tpu.dma_semaphore, #tpu.memory_space<semaphore_mem>>) src(%dma_wait3A_118 : memref<8000xi32, #tpu.memory_space<hbm>>) dst(%arg9 : memref<8000xi32, #tpu.memory_space<vmem>>)
    %dma_wait3A_119 = tpu.memref_slice %arg5[%mul3A_95] : memref<2000000xf32, #tpu.memory_space<hbm>> -> memref<8000xf32, #tpu.memory_space<hbm>>
    %dma_wait3A_120 = tpu.memref_slice %arg5[%mul3A_95] : memref<2000000xf32, #tpu.memory_space<hbm>> -> memref<8000xf32, #tpu.memory_space<hbm>>
    tpu.wait_dma2 semaphore(%arg15 : memref<!tpu.dma_semaphore, #tpu.memory_space<semaphore_mem>>) src(%arg11 : memref<8000xf32, #tpu.memory_space<vmem>>) dst(%dma_wait3A_120 : memref<8000xf32, #tpu.memory_space<hbm>>)
    %parallel_loop3A_121 = arith.constant 0 : i32
    %parallel_loop3A_122 = arith.constant 8000 : i32
    %parallel_loop3A_123 = arith.constant 16 : i32
    scf.for %parallel_loop3A_136 = %parallel_loop3A_121 to %parallel_loop3A_122 step %parallel_loop3A_123  : i32 {
      %parallel_loop3A_137 = arith.index_cast %parallel_loop3A_136 : i32 to index
      %parallel_loop3A_138 = tpu.vector_load %arg9[%parallel_loop3A_137] {strides = array<i32>} : memref<8000xi32, #tpu.memory_space<vmem>>, vector<16xi32>,
      %parallel_loop3A_139 = tpu.vector_load_idx %arg8[%parallel_loop3A_138] : memref<16384xf32, #tpu.memory_space<vmem>>[vector<16xi32>], vector<16xf32>,
      %parallel_loop3A_140 = arith.index_cast %parallel_loop3A_136 : i32 to index
      %parallel_loop3A_141 = tpu.vector_load %arg11[%parallel_loop3A_140] {strides = array<i32>} : memref<8000xf32, #tpu.memory_space<vmem>>, vector<16xf32>,
      tpu.vector_store %arg11[%parallel_loop3A_140], %parallel_loop3A_139 {strides = array<i32>} : memref<8000xf32, #tpu.memory_space<vmem>>, vector<16xf32>,
    } {sc.loop_unroll_factor = 10 : i64, sc.parallel_access}
    %add3A_124 = arith.constant 192 : i32
    %add3A_125 = arith.addi %add3A, %add3A_124 : i32
    %mul3A_126 = arith.constant 8000 : i32
    %mul3A_127 = arith.muli %add3A_125, %mul3A_126 : i32
    %dma_start3A_128 = tpu.memref_slice %arg5[%mul3A_127] : memref<2000000xf32, #tpu.memory_space<hbm>> -> memref<8000xf32, #tpu.memory_space<hbm>>
    %dma_start3A_129 = tpu.memref_slice %arg5[%mul3A_127] : memref<2000000xf32, #tpu.memory_space<hbm>> -> memref<8000xf32, #tpu.memory_space<hbm>>
    tpu.enqueue_dma source(%arg11 : memref<8000xf32, #tpu.memory_space<vmem>>) target(%dma_start3A_129 : memref<8000xf32, #tpu.memory_space<hbm>>) target_semaphore(%arg15 : memref<!tpu.dma_semaphore, #tpu.memory_space<semaphore_mem>>)
    %dma_wait3A_130 = tpu.memref_slice %arg5[%mul3A_114] : memref<2000000xf32, #tpu.memory_space<hbm>> -> memref<8000xf32, #tpu.memory_space<hbm>>
    %dma_wait3A_131 = tpu.memref_slice %arg5[%mul3A_114] : memref<2000000xf32, #tpu.memory_space<hbm>> -> memref<8000xf32, #tpu.memory_space<hbm>>
    tpu.wait_dma2 semaphore(%arg16 : memref<!tpu.dma_semaphore, #tpu.memory_space<semaphore_mem>>) src(%arg12 : memref<8000xf32, #tpu.memory_space<vmem>>) dst(%dma_wait3A_131 : memref<8000xf32, #tpu.memory_space<hbm>>)
    %dma_wait3A_132 = tpu.memref_slice %arg5[%mul3A_127] : memref<2000000xf32, #tpu.memory_space<hbm>> -> memref<8000xf32, #tpu.memory_space<hbm>>
    %dma_wait3A_133 = tpu.memref_slice %arg5[%mul3A_127] : memref<2000000xf32, #tpu.memory_space<hbm>> -> memref<8000xf32, #tpu.memory_space<hbm>>
    tpu.wait_dma2 semaphore(%arg15 : memref<!tpu.dma_semaphore, #tpu.memory_space<semaphore_mem>>) src(%arg11 : memref<8000xf32, #tpu.memory_space<vmem>>) dst(%dma_wait3A_133 : memref<8000xf32, #tpu.memory_space<hbm>>)
    %lt3A = arith.constant 26 : i32
    %lt3A_134 = arith.cmpi slt, %add3A, %lt3A : i32
    %convert_element_type3A = arith.extui %lt3A_134 : i1 to i32
    %cond3A = arith.constant 0 : i32
    %cond3A_135 = arith.cmpi ne, %convert_element_type3A, %cond3A : i32
    scf.if %cond3A_135 {
      %add3A_136 = arith.constant 224 : i32
      %add3A_137 = arith.addi %add3A_136, %add3A : i32
      %mul3A_138 = arith.constant 8000 : i32
      %mul3A_139 = arith.muli %add3A_137, %mul3A_138 : i32
      "tpu.region"() ({
        %run_scoped3A = tpu.sem_alloc : memref<!tpu.dma_semaphore, #tpu.memory_space<semaphore_mem>>
        %dma_start3A_143 = tpu.memref_slice %arg2[%mul3A_139] : memref<2000000xi32, #tpu.memory_space<hbm>> -> memref<8000xi32, #tpu.memory_space<hbm>>
        %dma_start3A_144 = tpu.memref_slice %arg2[%mul3A_139] : memref<2000000xi32, #tpu.memory_space<hbm>> -> memref<8000xi32, #tpu.memory_space<hbm>>
        tpu.enqueue_dma source(%dma_start3A_144 : memref<8000xi32, #tpu.memory_space<hbm>>) target(%arg9 : memref<8000xi32, #tpu.memory_space<vmem>>) target_semaphore(%run_scoped3A : memref<!tpu.dma_semaphore, #tpu.memory_space<semaphore_mem>>)
        %dma_wait3A_145 = tpu.memref_slice %arg2[%mul3A_139] : memref<2000000xi32, #tpu.memory_space<hbm>> -> memref<8000xi32, #tpu.memory_space<hbm>>
        %dma_wait3A_146 = tpu.memref_slice %arg2[%mul3A_139] : memref<2000000xi32, #tpu.memory_space<hbm>> -> memref<8000xi32, #tpu.memory_space<hbm>>
        tpu.wait_dma2 semaphore(%run_scoped3A : memref<!tpu.dma_semaphore, #tpu.memory_space<semaphore_mem>>) src(%dma_wait3A_146 : memref<8000xi32, #tpu.memory_space<hbm>>) dst(%arg9 : memref<8000xi32, #tpu.memory_space<vmem>>)
        tpu.yield
      }) : () -> ()
      %parallel_loop3A_140 = arith.constant 0 : i32
      %parallel_loop3A_141 = arith.constant 8000 : i32
      %parallel_loop3A_142 = arith.constant 16 : i32
      scf.for %parallel_loop3A_143 = %parallel_loop3A_140 to %parallel_loop3A_141 step %parallel_loop3A_142  : i32 {
        %parallel_loop3A_144 = arith.index_cast %parallel_loop3A_143 : i32 to index
        %parallel_loop3A_145 = tpu.vector_load %arg9[%parallel_loop3A_144] {strides = array<i32>} : memref<8000xi32, #tpu.memory_space<vmem>>, vector<16xi32>,
        %parallel_loop3A_146 = tpu.vector_load_idx %arg8[%parallel_loop3A_145] : memref<16384xf32, #tpu.memory_space<vmem>>[vector<16xi32>], vector<16xf32>,
        %parallel_loop3A_147 = arith.index_cast %parallel_loop3A_143 : i32 to index
        %parallel_loop3A_148 = tpu.vector_load %arg11[%parallel_loop3A_147] {strides = array<i32>} : memref<8000xf32, #tpu.memory_space<vmem>>, vector<16xf32>,
        tpu.vector_store %arg11[%parallel_loop3A_147], %parallel_loop3A_146 {strides = array<i32>} : memref<8000xf32, #tpu.memory_space<vmem>>, vector<16xf32>,
      } {sc.loop_unroll_factor = 10 : i64, sc.parallel_access}
      "tpu.region"() ({
        %run_scoped3A = tpu.sem_alloc : memref<!tpu.dma_semaphore, #tpu.memory_space<semaphore_mem>>
        %dma_start3A_143 = tpu.memref_slice %arg5[%mul3A_139] : memref<2000000xf32, #tpu.memory_space<hbm>> -> memref<8000xf32, #tpu.memory_space<hbm>>
        %dma_start3A_144 = tpu.memref_slice %arg5[%mul3A_139] : memref<2000000xf32, #tpu.memory_space<hbm>> -> memref<8000xf32, #tpu.memory_space<hbm>>
        tpu.enqueue_dma source(%arg11 : memref<8000xf32, #tpu.memory_space<vmem>>) target(%dma_start3A_144 : memref<8000xf32, #tpu.memory_space<hbm>>) target_semaphore(%run_scoped3A : memref<!tpu.dma_semaphore, #tpu.memory_space<semaphore_mem>>)
        %dma_wait3A_145 = tpu.memref_slice %arg5[%mul3A_139] : memref<2000000xf32, #tpu.memory_space<hbm>> -> memref<8000xf32, #tpu.memory_space<hbm>>
        %dma_wait3A_146 = tpu.memref_slice %arg5[%mul3A_139] : memref<2000000xf32, #tpu.memory_space<hbm>> -> memref<8000xf32, #tpu.memory_space<hbm>>
        tpu.wait_dma2 semaphore(%run_scoped3A : memref<!tpu.dma_semaphore, #tpu.memory_space<semaphore_mem>>) src(%arg11 : memref<8000xf32, #tpu.memory_space<vmem>>) dst(%dma_wait3A_146 : memref<8000xf32, #tpu.memory_space<hbm>>)
        tpu.yield
      }) : () -> ()
    } else {
    }
    return
  }
}

</mosaic_0001>

<sc_bundles>
// kernel: kernel.4.cloned.1.call-start
scs
__scs_entry_jumppad:
0x0: {  	(pc) =	sbr.rel $0x88, $3  }
0x1: {  	(tag) =	ssettag $0x0;
	lr =	simm.s32 $0x1  }
0x2: {  	[smem:$0x3F9D] =	sst lr;
	_ =	strace $0xD0000000  }
0x3: {  	_ = 	snop  }
0x4: {  	_ = 	snop  }
0x5: {  	_ = 	snop  }
0x6: {  	_ = 	snop  }
0x7: {  	_ = 	snop  }
__scs_overlays_trampoline_lowered:
0x8: {  	[smem:$0x3FAC] =	sst s0  }
0x9: {  	[smem:$0x3FAD] =	sst s1  }
0xa: {  	[smem:$0x3FAE] =	sst s2  }
0xb: {  	[smem:$0x3FAF] =	sst s3  }
0xc: {  	[smem:$0x3FB0] =	sst s4  }
0xd: {  	[smem:$0x3FB1] =	sst s5  }
0xe: {  	[smem:$0x3FB2] =	sst s6  }
0xf: {  	[smem:$0x3FB3] =	sst s7  }
0x10: {  	[smem:$0x3FB4] =	sst s8  }
0x11: {  	[smem:$0x3FB5] =	sst s9;
	s0 =	simm.s32 @!p0 $0x0  }
0x12: {  	s1 =	sld [smem:$0x3F9B];
	s0 =	simm.s32 @p0 $0x1  }
0x13: {  	[smem:$0x3FB6] =	sst s0;
	s0 =	simm.s32 @!p1 $0x0  }
0x14: {  	s2 =	sld [smem:$0x3F9A];
	s0 =	simm.s32 @p1 $0x1  }
0x15: {  	[smem:$0x3FB7] =	sst s0;
	s0 =	simm.s32 @!p2 $0x0  }
0x16: {  	s3 =	sld [smem:$0x3FDB];
	s0 =	simm.s32 @p2 $0x1  }
0x17: {  	s4 =	simm.s32 $0x1BF5;
	[smem:$0x3FB9] =	sst s0  }
0x18: {  	s0 =	sld [smem:$0x3F9C];
	_ =	swait.ge [sflag:s4], $0x0  }
0x19: {  	s7 =	sld [smem:$0x3F9D]  }
0x1a: {  	s8 =	sadd.s32 $0xFFFFE003, lr  }
0x1b: {  	s9 =	sadd.s32 $0xFFFFFEF7, lr;
	s5 =	simm.s32 $0xFFFFFFFF;
	p2 =	slt.u32 s8, $0xFFFFF086  }
0x1c: {  	p1 =	slt.u32 s9, $0xF7A;
	s5 =	simm.s32 @!p2 $0x0  }
0x1d: {  	s5 =	simm.s32 @p1 $0x1;
	p0 =	seq.s32 s7, s2  }
0x1e: {  	s7 =	smul.u32 @!p0 $0xF7A, s2;
	p2 =	seq.s32 @!p0 s5, $0x0  }
0x1f: {  	s9 =	smul.u32 $0xF7A, s1;
	s8 =	simm.s32 @!p0 $0x1BF5;
	p2 =	por !p2, p0  }
0x20: {  	[sflag:s8] =	ssyncset.s32 @!p0 $0xFFFFF086;
	s6 =	sadd.s32 @!p0 s3, s7;
	s7 =	simm.s32 @!p0 $0x108  }
0x21: {  	s3 =	sadd.s32 s3, s9;
	s6 =	sadd.s32 @!p0 $0x88, s6;
	s7 =	simm.s32 @p2 $0x1082  }
0x22: {  	[simem:s7], [sflag:s8] =	dma.local @!p0 [hbm:s6], $0xF7A  }
0x23: {  	s9 =	sor.u32 $0xD0000000, s2;
	s6 =	simm.s32 $0x108;
	_ =	swait.ge @!p0 [sflag:s8], $0x0  }
0x24: {  	s3 =	sadd.s32 $0x88, s3;
	s6 =	simm.s32 @!p1 $0x1082;
	[sflag:s4] =	ssyncset.s32 $0xFFFFF086  }
0x25: {  	[simem:s6], [sflag:s4] =	dma.local [hbm:s3], $0xF7A  }
0x26: {  	[smem:$0x3F9D] =	sst s1;
	(tag) =	ssettag s2;
	_ =	strace s9  }
0x27: {  	s1 =	sld [smem:$0x3FAD]  }
0x28: {  	s2 =	sld [smem:$0x3FAE]  }
0x29: {  	s4 =	sld [smem:$0x3FB0]  }
0x2a: {  	p0 =	seq.s32 s5, $0x0;
	s5 =	sld [smem:$0x3FB1]  }
0x2b: {  	s6 =	sld [smem:$0x3FB2]  }
0x2c: {  	s7 =	sld [smem:$0x3FB3]  }
0x2d: {  	s3 =	simm.s32 $0x108;
	s8 =	sld [smem:$0x3FB4]  }
0x2e: {  	s3 =	simm.s32 @!p0 $0x1082;
	s9 =	sld [smem:$0x3FB5]  }
0x2f: {  	lr =	sadd.s32 s0, s3;
	s0 =	sld [smem:$0x3FAC]  }
0x30: {  	s3 =	sld [smem:$0x3FAF]  }
0x31: {  	[smem:$0x3FB8] =	sst s10  }
0x32: {  	s10 =	sld [smem:$0x3FB6];
	_ =	sdelay $0x3  }
0x33: {  	p0 =	seq.s32 s10, $0x1;
	s10 =	sld [smem:$0x3FB8];
	_ =	sdelay $0x3  }
0x34: {  	[smem:$0x3FB8] =	sst s10  }
0x35: {  	s10 =	sld [smem:$0x3FB7];
	_ =	sdelay $0x3  }
0x36: {  	p1 =	seq.s32 s10, $0x1;
	s10 =	sld [smem:$0x3FB8];
	_ =	sdelay $0x3  }
0x37: {  	[smem:$0x3FB8] =	sst s10  }
0x38: {  	s10 =	sld [smem:$0x3FB9]  }
0x39: {  	_ = 	snop;
	(pc) =	sbr.ind lr, $3  }
0x3a: {  	_ = 	snop  }
0x3b: {  	_ = 	snop  }
0x3c: {  	p2 =	seq.s32 s10, $0x1;
	s10 =	sld [smem:$0x3FB8]  }
0x3d: {  	_ =	shalt  }
0x3e: {  	_ =	shalt  }
0x3f: {  	_ =	shalt  }
0x40: {  	_ =	shalt  }
0x41: {  	_ =	shalt  }
0x42: {  	_ =	shalt  }
0x43: {  	_ =	shalt  }
0x44: {  	_ =	shalt  }
0x45: {  	_ =	shalt  }
0x46: {  	_ =	shalt  }
0x47: {  	_ =	shalt  }
0x48: {  	_ =	shalt  }
0x49: {  	_ =	shalt  }
0x4a: {  	_ =	shalt  }
0x4b: {  	_ =	shalt  }
0x4c: {  	_ =	shalt  }
0x4d: {  	_ =	shalt  }
0x4e: {  	_ =	shalt  }
0x4f: {  	_ =	shalt  }
0x50: {  	_ =	shalt  }
0x51: {  	_ =	shalt  }
0x52: {  	_ =	shalt  }
0x53: {  	_ =	shalt  }
0x54: {  	_ =	shalt  }
0x55: {  	_ =	shalt  }
0x56: {  	_ =	shalt  }
0x57: {  	_ =	shalt  }
0x58: {  	_ =	shalt  }
0x59: {  	_ =	shalt  }
0x5a: {  	_ =	shalt  }
0x5b: {  	_ =	shalt  }
0x5c: {  	_ =	shalt  }
0x5d: {  	_ =	shalt  }
0x5e: {  	_ =	shalt  }
0x5f: {  	_ =	shalt  }
0x60: {  	_ =	shalt  }
0x61: {  	_ =	shalt  }
0x62: {  	_ =	shalt  }
0x63: {  	_ =	shalt  }
0x64: {  	_ =	shalt  }
0x65: {  	_ =	shalt  }
0x66: {  	_ =	shalt  }
0x67: {  	_ =	shalt  }
0x68: {  	_ =	shalt  }
0x69: {  	_ =	shalt  }
0x6a: {  	_ =	shalt  }
0x6b: {  	_ =	shalt  }
0x6c: {  	_ =	shalt  }
0x6d: {  	_ =	shalt  }
0x6e: {  	_ =	shalt  }
0x6f: {  	_ =	shalt  }
0x70: {  	_ =	shalt  }
0x71: {  	_ =	shalt  }
0x72: {  	_ =	shalt  }
0x73: {  	_ =	shalt  }
0x74: {  	_ =	shalt  }
0x75: {  	_ =	shalt  }
0x76: {  	_ =	shalt  }
0x77: {  	_ =	shalt  }
0x78: {  	_ =	shalt  }
0x79: {  	_ =	shalt  }
0x7a: {  	_ =	shalt  }
0x7b: {  	_ =	shalt  }
0x7c: {  	_ =	shalt  }
0x7d: {  	_ =	shalt  }
0x7e: {  	_ =	shalt  }
0x7f: {  	_ =	shalt  }
0x80: {  	_ =	shalt  }
0x81: {  	_ =	shalt  }
0x82: {  	_ =	shalt  }
0x83: {  	_ =	shalt  }
0x84: {  	_ =	shalt  }
0x85: {  	_ =	shalt  }
0x86: {  	_ =	shalt  }
0x87: {  	_ =	shalt  }
.Lfunc_end0:
.L_simem_size_0:
called_computation_lowered:
.L_overlay_start_0:
0x88: {  	s2 =	sld [smem:$0x3FD9]  }
0x89: {  	s3 =	sld [smem:$0x3FFE];
	_ =	sdelay $0x1  }
0x8a: {  	s1 =	srdreg.scid  }
0x8b: {  	s0 =	sand.u32 $0x1, s1  }
0x8c: {  	s17 =	sshll.u32 s0, $0xA;
	s2 =	sadd.s32 s3, s2  }
0x8d: {  	s2 =	sadd.s32 s2, s17  }
0x8e: {  	[smem:$0x3FC4] =	sst s2  }
0x8f: {  	_ = 	snop  }
0x90: {  	s18 =	sld [smem:$0x3FC9]  }
0x91: {  	s4 =	sld [smem:$0x3FC8]  }
0x92: {  	s5 =	sld [smem:$0x3FC7];
	(tm) =	ssettm $0x1  }
0x93: {  	s19 =	sld [smem:$0x3FFB];
	_ =	sdelay $0x3  }
0x94: {  	_ =	strace s19  }
0x95: {  	s2 =	sld [smem:$0x3FFC];
	_ =	sdelay $0x3  }
0x96: {  	_ =	strace s2  }
0x97: {  	s2 =	sld [smem:$0x3FFD];
	_ =	sdelay $0x3  }
0x98: {  	_ =	strace s2  }
0x99: {  	_ =	strace $0x8FFFFFFF  }
0x9a: {  	s20 =	sld [smem:$0x3FDB];
	_ =	sdelay $0x1  }
0x9b: {  	s6 =	simm.s32 $_scs_section_size  }
0x9c: {  	s7 =	simm.s32 $_size__tile_overlayer_lowered;
	s8 =	simm.s32 $_tile_overlayer_lowered  }
0x9d: {  	s9 =	simm.s32 $0x1BFF;
	s21 =	sshll.u32 s8, $0x1;
	s6 =	sadd.s32 s6, s20  }
0x9e: {  	s22 =	simm.s32 $0x0;
	s7 =	sshll.u32 s7, $0x1;
	s8 =	sadd.s32 s21, s6  }
0x9f: {  	[timem:s22], [sflag:s9] =	dma.local [hbm:s8], s7  }
0xa0: {  	_ =	swait.ge [sflag:s9], s7  }
0xa1: {  	s7 =	ssub.s32 $0x0, s7;
	[sflag:s9] =	ssyncset.done $0x0  }
0xa2: {  	[sflag:s9] =	ssyncadd.s32 s7;
	_ =	sdelay $0x1  }
0xa3: {  	s23 =	simm.s32 $0x1B8B  }
0xa4: {  	_ =	swait.ge [sflag:s23], $0x1  }
0xa5: {  	[sflag:s23] =	ssyncset.done $0x0  }
0xa6: {  	[sflag:s23] =	ssyncadd.s32 $0xFFFFFFFF  }
0xa7: {  	s7 =	sld [smem:$0x0]  }
0xa8: {  	s8 =	sand.u32 $0xFFFFFFFE, s1  }
0xa9: {  	p0 =	sne.s32 s1, s8  }
0xaa: {  	s8 =	sshll.u32 @p0 s8, $0xE  }
0xab: {  	s8 =	sadd.s32 @p0 $0x11B8D, s8;
	s9 =	sshll.u32 @p0 s7, $0x11  }
0xac: {  	s8 =	sor.u32 @p0 s9, s8  }
0xad: {  	[sflag:s8] =	ssyncadd.remote.s32 @p0 $0x1;
	_ =	sdelay $0x1  }
0xae: {  	s8 =	simm.s32 @p0 $0x1B8D  }
0xaf: {  	_ =	swait.eq @p0 [sflag:s8], $0x1  }
0xb0: {  	[sflag:s8] =	ssyncadd.s32 @p0 $0xFFFFFFFF  }
0xb1: {  	s9 =	sshll.u32 @!p0 s1, $0xE  }
0xb2: {  	s9 =	sor.u32 @!p0 $0x4000, s9;
	s8 =	simm.s32 @!p0 $0x1B8D  }
0xb3: {  	s7 =	sshll.u32 @!p0 s7, $0x11;
	s9 =	sadd.s32 @!p0 $0x11B8D, s9;
	_ =	swait.eq @!p0 [sflag:s8], $0x1  }
0xb4: {  	s7 =	sor.u32 @!p0 s7, s9;
	[sflag:s8] =	ssyncadd.s32 @!p0 $0xFFFFFFFF  }
0xb5: {  	s25 =	simm.s32 $0x1B8E;
	s24 =	sld [smem:$0x3FFE];
	[sflag:s7] =	ssyncadd.remote.s32 @!p0 $0x1  }
0xb6: {  	s26 =	simm.s32 $execute0_lowered;
	[smem:$0x3FD2] =	sst s25  }
0xb7: {  	s8 =	sshll.u32 s26, $0x1;
	_ =	strace $0x80000049;
	[dreg:$0x1] =	wrdreg $0xFFFFFFFF  }
0xb8: {  	s28 =	simm.s32 $_size_execute0_lowered;
	s6 =	sadd.s32 s6, s8;
	[dreg:$0x0] =	wrdreg $0x0  }
0xb9: {  	s8 =	sshll.u32 s28, $0x1;
	[dreg:$0x2] =	wrdreg s6  }
0xba: {  	[dreg:$0x3] =	wrdreg s8  }
0xbb: {  	[dreg:$0x4] =	wrdreg $0xC0  }
0xbc: {  	_ =	task [dreg:s22], $0x5FFFF  }
0xbd: {  	[dreg:$0x1] =	wrdreg $0xFFFFFFFF  }
0xbe: {  	[dreg:$0x0] =	wrdreg $0x60  }
0xbf: {  	[dreg:$0x2] =	wrdreg s18  }
0xc0: {  	[dreg:$0x3] =	wrdreg s4  }
0xc1: {  	[dreg:$0x4] =	wrdreg s5  }
0xc2: {  	[dreg:$0x5] =	wrdreg s24  }
0xc3: {  	[dreg:$0x6] =	wrdreg $0x9  }
0xc4: {  	_ =	task.clear_ibuf [dreg:s22], $0x7FFFF;
	_ =	strace $0x90000049  }
0xc5: {  	s29 =	simm.s32 $0x9;
	_ =	strace $0x8000004B  }
0xc6: {  	_ =	swait.ge [sflag:s29], $0x1  }
0xc7: {  	[sflag:s29] =	ssyncadd.s32 $0xFFFFFFFF  }
0xc8: {  	_ =	strace $0x9000004B  }
0xc9: {  	_ =	sfence  }
0xca: {  	s30 =	sld [smem:$0x0];
	_ =	sdelay $0x2  }
0xcb: {  	s31 =	sshll.u32 s1, $0xD;
	s1 =	sshrl.u32 s1, $0x2  }
0xcc: {  	s4 =	sand.u32 $0x4000, s31;
	s1 =	sadd.s32 s1, s30  }
0xcd: {  	s0 =	sor.u32 s4, s0;
	s1 =	sshll.u32 s1, $0x11  }
0xce: {  	s0 =	sor.u32 s1, s0  }
0xcf: {  	s0 =	sadd.s32 $0x8F2B, s0  }
0xd0: {  	[sflag:s0] =	ssyncadd.remote.s32 $0x1  }
0xd1: {  	_ =	sfence.sel $0xFFFF  }
0xd2: {  	[dreg:$0x0] =	wrdreg $0xFFFFFFFF;
	(pc) =	sbr.abs _section_cstart, $3  }
0xd3: {  	[dreg:$0x1] =	wrdreg $0xFFFFFFFF  }
0xd4: {  	_ =	task.clear_ibuf [dreg:s22], $0x2FFFF;
	_ =	strace $0x9FFFFFFF  }
0xd5: {  	(tm) =	ssettm $0x7FFFFFFF  }
tec
execute0_lowered:
.L_overlay_start_1:
0x0: {  	(tag) =	ssettag $0x1  }
0x1: {  	s0 =	rddreg [dreg:$0x0]  }
0x2: {  	s1 =	srdreg.scid;
	s20 =	stileid.u32  }
0x3: {  	s2 =	rddreg [dreg:$0x3];
	s4 =	simm.s32 $0x0;
	s22 =	simm.s32 $0x81F8  }
0x4: {  	s23 =	simm.s32 $0x5;
	s28 =	simm.s32 $0x41F8;
	s29 =	simm.s32 $0xC078  }
0x5: {  	s30 =	simm.s32 $0x2;
	s1 =	sand.u32 $0x1, s1;
	s3 =	sshll.u32 s20, $0x1  }
0x6: {  	s31 =	simm.s32 $0xDFB8;
	[smem:$0x7FF] =	sst s4;
	s3 =	sor.u32 s1, s3  }
0x7: {  	s2 =	sadd.s32 $0x3DA00, s2;
	s1 =	ssub.s32 $0x2, s1;
	s5 =	smul.u32 $0x1F40, s3  }
0x8: {  	p0 =	sgt.u32 s20, $0xC;
	s6 =	sshrl.u32 s1, $0x1;
	s3 =	smul.u32 $0x3E8, s3  }
0x9: {  	_ =	strace $0x8000004A;
	s1 =	ssub.s32 s1, s6;
	s17 =	sshrl.u32 s5, $0x3  }
0xa: {  	s5 =	sadd.s32 s0, s3;
	s7 =	sadd.s32 s2, s3;
	s21 =	smax.u32 s1, $0x1  }
0xb: {  	s1 =	simm.s32 $0x0;
	s9 =	sadd.s32 $0x7D00, s17;
	s11 =	sadd.s32 $0xFA00, s17  }
0xc: {  	s24 =	sadd.s32 $0x17700, s17;
	s15 =	sadd.s32 $0x1F400, s17;
	s18 =	sadd.s32 $0x27100, s17  }
0xd: {  	s25 =	sadd.s32 $0x2EE00, s17;
	s19 =	sadd.s32 $0x36B00, s17;
	s6 =	sadd.s32 s0, s9  }
0xe: {  	s8 =	sadd.s32 s0, s11;
	s9 =	sadd.s32 s2, s9;
	s10 =	sadd.s32 s0, s24  }
0xf: {  	s11 =	sadd.s32 s2, s11;
	s12 =	sadd.s32 s0, s15;
	s13 =	sadd.s32 s2, s24  }
.Ltmp0:
0x10: {  	s14 =	sadd.s32 s0, s18;
	s15 =	sadd.s32 s2, s15;
	(pc) =	sbr.rel .LBB2_1-.Ltmp0, $4  }
0x11: {  	s16 =	sadd.s32 s0, s25;
	s17 =	sadd.s32 s2, s18;
	s18 =	sadd.s32 s2, s25  }
0x12: {  	s0 =	sadd.s32 s0, s19;
	s26 =	sadd.s32 s2, s19;
	s24 =	simm.s32 $0x4000  }
0x13: {  	s25 =	simm.s32 $0xA138;
	s2 =	simm.s32 $0x3;
	[dreg:$0x5] =	wrdreg s0  }
0x14: {  	[dreg:$0x6] =	wrdreg s26;
	s26 =	simm.s32 $0x1;
	s0 =	simm.s32 $0x4  }
.LBB2_20:
0x15: {  	[tilespmem:s3+$0xFFFFFFF0] =	vst v0  }
0x16: {  	[tilespmem:s3+$0x0] =	vst v1  }
0x17: {  	[tilespmem:s3+$0x10] =	vst v2  }
0x18: {  	[tilespmem:s3+$0x20] =	vst v4  }
0x19: {  	[tilespmem:s3+$0xFFFFFFB0] =	vst v3  }
0x1a: {  	[tilespmem:s3+$0x30] =	vst v5  }
0x1b: {  	s3 =	rddreg [dreg:$0x6]  }
0x1c: {  	[hbm4b:s3+s4] =	stream.linear.scatter [tilespmem:s29], [sflag:$0x5], $0x1F40, $0x38;
	[tilespmem:$0xFEF8] =	vst v63  }
0x1d: {  	_ =	swait.ge [sflag:s23], $0x1F40  }
0x1e: {  	[sflag:s23] =	ssyncset.done $0x0  }
0x1f: {  	[sflag:s23] =	ssyncadd.s32 $0xFFFFE0C0  }
.LBB2_21:
0x20: {  	s1 =	sadd.s32 $0x1, s1  }
0x21: {  	p1 =	sne.s32 s1, s21  }
.Ltmp1:
0x22: {  	_ = 	snop;
	(pc) =	sbr.rel @!p1 .LBB2_22-.Ltmp1, $1  }
0x23: {  	_ =	sdelay $0x3  }
.LBB2_1:
0x24: {  	[tilespmem:s22], [sflag:$0x1] =	stream.linear.gather [hbm4b:s5+s4], $0x1F40, $0x38;
	[tilespmem:$0xFEF8] =	vst v63  }
0x25: {  	s3 =	rddreg [dreg:$0x1]  }
0x26: {  	[tilespmem:s4], [sflag:$0x5] =	stream.linear.gather [hbm4b:s3+s4], $0x4000, $0x38;
	[tilespmem:$0xFEF8] =	vst v63  }
0x27: {  	_ =	swait.ge [sflag:s23], $0x4000  }
0x28: {  	[sflag:s23] =	ssyncset.done $0x0  }
0x29: {  	[sflag:s23] =	ssyncadd.s32 $0xFFFFC000  }
0x2a: {  	s19 =	rddreg [dreg:$0x2]  }
0x2b: {  	[tilespmem:s24], [sflag:$0x5] =	stream.linear.gather [hbm4b:s19+s4], $0x1F8, $0x38;
	[tilespmem:$0xFEF8] =	vst v63  }
0x2c: {  	_ =	swait.ge [sflag:s23], $0x1F8  }
0x2d: {  	[sflag:s23] =	ssyncset.done $0x0  }
0x2e: {  	s20 =	simm.s32 $0x40;
	[sflag:s23] =	ssyncadd.s32 $0xFFFFFE08  }
0x2f: {  	v0 =	vld [tilespmem:s20+$0x30]  }
0x30: {  	v1 =	vld [tilespmem:s20+$0xFFFFFFD0]  }
0x31: {  	v2 =	vld [tilespmem:s20+$0xFFFFFFE0]  }
0x32: {  	v3 =	vld [tilespmem:s20+$0xFFFFFFF0]  }
0x33: {  	v4 =	vld [tilespmem:s20+$0x0]  }
0x34: {  	v6 =	vld [tilespmem:s20+$0x10]  }
0x35: {  	v7 =	vld [tilespmem:s20+$0x20]  }
0x36: {  	v8 =	vld [tilespmem:s20+$0xFFFFFFC0]  }
0x37: {  	v9 =	vld.idx.msk [tilespmem:v0+s24+$0x0], $0xffff  }
0x38: {  	v10 =	vld.idx.msk [tilespmem:v1+s24+$0x0], $0xffff  }
0x39: {  	v5 =	vld.idx.msk [tilespmem:v2+s24+$0x0], $0xffff  }
0x3a: {  	v3 =	vld.idx.msk [tilespmem:v3+s24+$0x0], $0xffff  }
0x3b: {  	v0 =	vld.idx.msk [tilespmem:v4+s24+$0x0], $0xffff  }
0x3c: {  	s3 =	simm.s32 $0x4238;
	v1 =	vld.idx.msk [tilespmem:v6+s24+$0x0], $0xffff  }
0x3d: {  	v2 =	vld.idx.msk [tilespmem:v7+s24+$0x0], $0xffff;
	[tilespmem:s3+$0x30] =	vst v9  }
0x3e: {  	s19 =	simm.s32 $0x0;
	s20 =	simm.s32 $0xC0;
	v4 =	vld.idx.msk [tilespmem:v8+s24+$0x0], $0xffff;
	[tilespmem:s3+$0xFFFFFFD0] =	vst v10  }
.LBB2_2:
0x3f: {  	v6 =	vld [tilespmem:s20+$0x30];
	s19 =	sadd.s32 $0x80, s19;
	[tilespmem:s3+$0xFFFFFFE0] =	vst v5  }
0x40: {  	v5 =	vld [tilespmem:s20+$0xFFFFFFD0];
	p1 =	slt.u32 s19, $0x3F80;
	[tilespmem:s3+$0xFFFFFFF0] =	vst v3  }
0x41: {  	v3 =	vld [tilespmem:s20+$0xFFFFFFE0];
	[tilespmem:s3+$0x0] =	vst v0  }
0x42: {  	v0 =	vld [tilespmem:s20+$0xFFFFFFF0];
	[tilespmem:s3+$0x10] =	vst v1  }
0x43: {  	v1 =	vld [tilespmem:s20+$0x0];
	[tilespmem:s3+$0x20] =	vst v2  }
0x44: {  	v2 =	vld [tilespmem:s20+$0x10];
	[tilespmem:s3+$0xFFFFFFC0] =	vst v4  }
0x45: {  	v4 =	vld [tilespmem:s20+$0x20]  }
0x46: {  	v7 =	vld [tilespmem:s20+$0xFFFFFFC0]  }
0x47: {  	v6 =	vld.idx.msk [tilespmem:v6+s24+$0x0], $0xffff  }
0x48: {  	v8 =	vld.idx.msk [tilespmem:v5+s24+$0x0], $0xffff  }
0x49: {  	v5 =	vld.idx.msk [tilespmem:v3+s24+$0x0], $0xffff  }
.Ltmp2:
0x4a: {  	v3 =	vld.idx.msk [tilespmem:v0+s24+$0x0], $0xffff;
	(pc) =	sbr.rel @p1 .LBB2_2-.Ltmp2, $4  }
0x4b: {  	v0 =	vld.idx.msk [tilespmem:v1+s24+$0x0], $0xffff  }
0x4c: {  	s3 =	sadd.s32 $0x80, s3;
	v1 =	vld.idx.msk [tilespmem:v2+s24+$0x0], $0xffff  }
0x4d: {  	v2 =	vld.idx.msk [tilespmem:v4+s24+$0x0], $0xffff;
	[tilespmem:s3+$0x30] =	vst v6  }
0x4e: {  	s20 =	sadd.s32 $0x80, s20;
	v4 =	vld.idx.msk [tilespmem:v7+s24+$0x0], $0xffff;
	[tilespmem:s3+$0xFFFFFFD0] =	vst v8  }
0x4f: {  	[tilespmem:s3+$0xFFFFFFE0] =	vst v5  }
0x50: {  	[tilespmem:s3+$0xFFFFFFF0] =	vst v3  }
0x51: {  	[tilespmem:s3+$0x0] =	vst v0  }
0x52: {  	[tilespmem:s3+$0x10] =	vst v1  }
0x53: {  	[tilespmem:s3+$0x20] =	vst v2  }
0x54: {  	[tilespmem:s3+$0xFFFFFFC0] =	vst v4  }
0x55: {  	[tilespmem:s25], [sflag:$0x2] =	stream.linear.gather [hbm4b:s6+s4], $0x1F40, $0x38;
	[tilespmem:$0xFEF8] =	vst v63  }
0x56: {  	_ =	swait.ge [sflag:s26], $0x1F40  }
0x57: {  	[sflag:s26] =	ssyncset.done $0x0  }
0x58: {  	s20 =	simm.s32 $0x8248;
	[sflag:s26] =	ssyncadd.s32 $0xFFFFE0C0  }
0x59: {  	v0 =	vld [tilespmem:s20+$0x40]  }
0x5a: {  	v1 =	vld [tilespmem:s20+$0xFFFFFFC0]  }
0x5b: {  	v2 =	vld [tilespmem:s20+$0xFFFFFFD0]  }
0x5c: {  	v3 =	vld [tilespmem:s20+$0xFFFFFFE0]  }
0x5d: {  	v4 =	vld [tilespmem:s20+$0xFFFFFFF0]  }
0x5e: {  	v5 =	vld [tilespmem:s20+$0x0]  }
0x5f: {  	v6 =	vld [tilespmem:s20+$0x10]  }
0x60: {  	v7 =	vld [tilespmem:s20+$0x20]  }
0x61: {  	v9 =	vld [tilespmem:s20+$0x30]  }
0x62: {  	v10 =	vld [tilespmem:s20+$0xFFFFFFB0]  }
0x63: {  	v8 =	vld.idx.msk [tilespmem:v0+s28+$0x0], $0xffff  }
0x64: {  	v11 =	vld.idx.msk [tilespmem:v1+s28+$0x0], $0xffff  }
0x65: {  	v12 =	vld.idx.msk [tilespmem:v2+s28+$0x0], $0xffff  }
0x66: {  	v13 =	vld.idx.msk [tilespmem:v3+s28+$0x0], $0xffff  }
0x67: {  	v0 =	vld.idx.msk [tilespmem:v4+s28+$0x0], $0xffff  }
0x68: {  	s3 =	simm.s32 $0xC0C8;
	v1 =	vld.idx.msk [tilespmem:v5+s28+$0x0], $0xffff  }
0x69: {  	v2 =	vld.idx.msk [tilespmem:v6+s28+$0x0], $0xffff;
	[tilespmem:s3+$0x40] =	vst v8  }
0x6a: {  	v4 =	vld.idx.msk [tilespmem:v7+s28+$0x0], $0xffff;
	[tilespmem:s3+$0xFFFFFFC0] =	vst v11  }
0x6b: {  	v3 =	vld.idx.msk [tilespmem:v10+s28+$0x0], $0xffff;
	[tilespmem:s3+$0xFFFFFFD0] =	vst v12  }
0x6c: {  	s19 =	simm.s32 $0x0;
	s20 =	simm.s32 $0x82E8;
	v5 =	vld.idx.msk [tilespmem:v9+s28+$0x0], $0xffff;
	[tilespmem:s3+$0xFFFFFFE0] =	vst v13  }
.LBB2_4:
0x6d: {  	v6 =	vld [tilespmem:s20+$0x40];
	s19 =	sadd.s32 $0xA0, s19;
	[tilespmem:s3+$0xFFFFFFF0] =	vst v0  }
0x6e: {  	v0 =	vld [tilespmem:s20+$0xFFFFFFC0];
	p1 =	slt.u32 s19, $0x1EA0;
	[tilespmem:s3+$0x0] =	vst v1  }
0x6f: {  	v1 =	vld [tilespmem:s20+$0xFFFFFFD0];
	[tilespmem:s3+$0x10] =	vst v2  }
0x70: {  	v2 =	vld [tilespmem:s20+$0xFFFFFFE0];
	[tilespmem:s3+$0x20] =	vst v4  }
0x71: {  	v4 =	vld [tilespmem:s20+$0xFFFFFFF0];
	[tilespmem:s3+$0xFFFFFFB0] =	vst v3  }
0x72: {  	v3 =	vld [tilespmem:s20+$0x0];
	[tilespmem:s3+$0x30] =	vst v5  }
0x73: {  	v5 =	vld [tilespmem:s20+$0x10]  }
0x74: {  	v7 =	vld [tilespmem:s20+$0x20]  }
0x75: {  	v6 =	vld.idx.msk [tilespmem:v6+s28+$0x0], $0xffff  }
0x76: {  	v8 =	vld [tilespmem:s20+$0x30]  }
0x77: {  	v9 =	vld [tilespmem:s20+$0xFFFFFFB0]  }
0x78: {  	v10 =	vld.idx.msk [tilespmem:v0+s28+$0x0], $0xffff  }
0x79: {  	v11 =	vld.idx.msk [tilespmem:v1+s28+$0x0], $0xffff  }
0x7a: {  	s3 =	sadd.s32 $0xA0, s3;
	v12 =	vld.idx.msk [tilespmem:v2+s28+$0x0], $0xffff  }
0x7b: {  	v0 =	vld.idx.msk [tilespmem:v4+s28+$0x0], $0xffff;
	[tilespmem:s3+$0x40] =	vst v6  }
.Ltmp3:
0x7c: {  	v1 =	vld.idx.msk [tilespmem:v3+s28+$0x0], $0xffff;
	(pc) =	sbr.rel @p1 .LBB2_4-.Ltmp3, $4  }
0x7d: {  	v2 =	vld.idx.msk [tilespmem:v5+s28+$0x0], $0xffff  }
0x7e: {  	[tilespmem:s3+$0xFFFFFFC0] =	vst v10;
	v4 =	vld.idx.msk [tilespmem:v7+s28+$0x0], $0xffff  }
0x7f: {  	v3 =	vld.idx.msk [tilespmem:v9+s28+$0x0], $0xffff;
	[tilespmem:s3+$0xFFFFFFD0] =	vst v11  }
0x80: {  	s20 =	sadd.s32 $0xA0, s20;
	[tilespmem:s3+$0xFFFFFFE0] =	vst v12;
	v5 =	vld.idx.msk [tilespmem:v8+s28+$0x0], $0xffff  }
0x81: {  	[tilespmem:s3+$0xFFFFFFF0] =	vst v0  }
0x82: {  	[tilespmem:s3+$0x0] =	vst v1  }
0x83: {  	[tilespmem:s3+$0x10] =	vst v2  }
0x84: {  	[tilespmem:s3+$0x20] =	vst v4  }
0x85: {  	[tilespmem:s3+$0xFFFFFFB0] =	vst v3  }
0x86: {  	[tilespmem:s3+$0x30] =	vst v5  }
0x87: {  	[hbm4b:s7+s4] =	stream.linear.scatter [tilespmem:s29], [sflag:$0x3], $0x1F40, $0x38;
	[tilespmem:$0xFEF8] =	vst v63  }
0x88: {  	_ = 	snop  }
0x89: {  	[tilespmem:s22], [sflag:$0x1] =	stream.linear.gather [hbm4b:s8+s4], $0x1F40, $0x38;
	[tilespmem:$0xFEF8] =	vst v63  }
0x8a: {  	_ =	swait.ge [sflag:s30], $0x1F40  }
0x8b: {  	[sflag:s30] =	ssyncset.done $0x0  }
0x8c: {  	s20 =	simm.s32 $0xA188;
	[sflag:s30] =	ssyncadd.s32 $0xFFFFE0C0  }
0x8d: {  	v0 =	vld [tilespmem:s20+$0x40]  }
0x8e: {  	v1 =	vld [tilespmem:s20+$0xFFFFFFC0]  }
0x8f: {  	v2 =	vld [tilespmem:s20+$0xFFFFFFD0]  }
0x90: {  	v3 =	vld [tilespmem:s20+$0xFFFFFFE0]  }
0x91: {  	v4 =	vld [tilespmem:s20+$0xFFFFFFF0]  }
0x92: {  	v5 =	vld [tilespmem:s20+$0x0]  }
0x93: {  	v6 =	vld [tilespmem:s20+$0x10]  }
0x94: {  	v7 =	vld [tilespmem:s20+$0x20]  }
0x95: {  	v9 =	vld [tilespmem:s20+$0x30]  }
0x96: {  	v10 =	vld [tilespmem:s20+$0xFFFFFFB0]  }
0x97: {  	v8 =	vld.idx.msk [tilespmem:v0+s28+$0x0], $0xffff  }
0x98: {  	v11 =	vld.idx.msk [tilespmem:v1+s28+$0x0], $0xffff  }
0x99: {  	v12 =	vld.idx.msk [tilespmem:v2+s28+$0x0], $0xffff  }
0x9a: {  	v13 =	vld.idx.msk [tilespmem:v3+s28+$0x0], $0xffff  }
0x9b: {  	v0 =	vld.idx.msk [tilespmem:v4+s28+$0x0], $0xffff  }
0x9c: {  	s3 =	simm.s32 $0xE008;
	v1 =	vld.idx.msk [tilespmem:v5+s28+$0x0], $0xffff  }
0x9d: {  	v2 =	vld.idx.msk [tilespmem:v6+s28+$0x0], $0xffff;
	[tilespmem:s3+$0x40] =	vst v8  }
0x9e: {  	v4 =	vld.idx.msk [tilespmem:v7+s28+$0x0], $0xffff;
	[tilespmem:s3+$0xFFFFFFC0] =	vst v11  }
0x9f: {  	v3 =	vld.idx.msk [tilespmem:v10+s28+$0x0], $0xffff;
	[tilespmem:s3+$0xFFFFFFD0] =	vst v12  }
0xa0: {  	s19 =	simm.s32 $0x0;
	s20 =	simm.s32 $0xA228;
	v5 =	vld.idx.msk [tilespmem:v9+s28+$0x0], $0xffff;
	[tilespmem:s3+$0xFFFFFFE0] =	vst v13  }
.LBB2_6:
0xa1: {  	v6 =	vld [tilespmem:s20+$0x40];
	s19 =	sadd.s32 $0xA0, s19;
	[tilespmem:s3+$0xFFFFFFF0] =	vst v0  }
0xa2: {  	v0 =	vld [tilespmem:s20+$0xFFFFFFC0];
	p1 =	slt.u32 s19, $0x1EA0;
	[tilespmem:s3+$0x0] =	vst v1  }
0xa3: {  	v1 =	vld [tilespmem:s20+$0xFFFFFFD0];
	[tilespmem:s3+$0x10] =	vst v2  }
0xa4: {  	v2 =	vld [tilespmem:s20+$0xFFFFFFE0];
	[tilespmem:s3+$0x20] =	vst v4  }
0xa5: {  	v4 =	vld [tilespmem:s20+$0xFFFFFFF0];
	[tilespmem:s3+$0xFFFFFFB0] =	vst v3  }
0xa6: {  	v3 =	vld [tilespmem:s20+$0x0];
	[tilespmem:s3+$0x30] =	vst v5  }
0xa7: {  	v5 =	vld [tilespmem:s20+$0x10]  }
0xa8: {  	v7 =	vld [tilespmem:s20+$0x20]  }
0xa9: {  	v6 =	vld.idx.msk [tilespmem:v6+s28+$0x0], $0xffff  }
0xaa: {  	v8 =	vld [tilespmem:s20+$0x30]  }
0xab: {  	v9 =	vld [tilespmem:s20+$0xFFFFFFB0]  }
0xac: {  	v10 =	vld.idx.msk [tilespmem:v0+s28+$0x0], $0xffff  }
0xad: {  	v11 =	vld.idx.msk [tilespmem:v1+s28+$0x0], $0xffff  }
0xae: {  	s3 =	sadd.s32 $0xA0, s3;
	v12 =	vld.idx.msk [tilespmem:v2+s28+$0x0], $0xffff  }
0xaf: {  	v0 =	vld.idx.msk [tilespmem:v4+s28+$0x0], $0xffff;
	[tilespmem:s3+$0x40] =	vst v6  }
.Ltmp4:
0xb0: {  	v1 =	vld.idx.msk [tilespmem:v3+s28+$0x0], $0xffff;
	(pc) =	sbr.rel @p1 .LBB2_6-.Ltmp4, $4  }
0xb1: {  	v2 =	vld.idx.msk [tilespmem:v5+s28+$0x0], $0xffff  }
0xb2: {  	[tilespmem:s3+$0xFFFFFFC0] =	vst v10;
	v4 =	vld.idx.msk [tilespmem:v7+s28+$0x0], $0xffff  }
0xb3: {  	v3 =	vld.idx.msk [tilespmem:v9+s28+$0x0], $0xffff;
	[tilespmem:s3+$0xFFFFFFD0] =	vst v11  }
0xb4: {  	s20 =	sadd.s32 $0xA0, s20;
	[tilespmem:s3+$0xFFFFFFE0] =	vst v12;
	v5 =	vld.idx.msk [tilespmem:v8+s28+$0x0], $0xffff  }
0xb5: {  	[tilespmem:s3+$0xFFFFFFF0] =	vst v0  }
0xb6: {  	[tilespmem:s3+$0x0] =	vst v1  }
0xb7: {  	[tilespmem:s3+$0x10] =	vst v2  }
0xb8: {  	[tilespmem:s3+$0x20] =	vst v4  }
0xb9: {  	[tilespmem:s3+$0xFFFFFFB0] =	vst v3  }
0xba: {  	[tilespmem:s3+$0x30] =	vst v5  }
0xbb: {  	[hbm4b:s9+s4] =	stream.linear.scatter [tilespmem:s31], [sflag:$0x4], $0x1F40, $0x38;
	[tilespmem:$0xFEF8] =	vst v63  }
0xbc: {  	_ = 	snop  }
0xbd: {  	[tilespmem:s25], [sflag:$0x2] =	stream.linear.gather [hbm4b:s10+s4], $0x1F40, $0x38;
	[tilespmem:$0xFEF8] =	vst v63  }
0xbe: {  	_ =	swait.ge [sflag:s26], $0x1F40  }
0xbf: {  	[sflag:s26] =	ssyncset.done $0x0  }
0xc0: {  	[sflag:s26] =	ssyncadd.s32 $0xFFFFE0C0  }
0xc1: {  	_ =	swait.ge [sflag:s2], $0x1F40  }
0xc2: {  	[sflag:s2] =	ssyncset.done $0x0  }
0xc3: {  	s20 =	simm.s32 $0x8248;
	[sflag:s2] =	ssyncadd.s32 $0xFFFFE0C0  }
0xc4: {  	v0 =	vld [tilespmem:s20+$0x40]  }
0xc5: {  	v1 =	vld [tilespmem:s20+$0xFFFFFFC0]  }
0xc6: {  	v2 =	vld [tilespmem:s20+$0xFFFFFFD0]  }
0xc7: {  	v3 =	vld [tilespmem:s20+$0xFFFFFFE0]  }
0xc8: {  	v4 =	vld [tilespmem:s20+$0xFFFFFFF0]  }
0xc9: {  	v5 =	vld [tilespmem:s20+$0x0]  }
0xca: {  	v6 =	vld [tilespmem:s20+$0x10]  }
0xcb: {  	v7 =	vld [tilespmem:s20+$0x20]  }
0xcc: {  	v9 =	vld [tilespmem:s20+$0x30]  }
0xcd: {  	v10 =	vld [tilespmem:s20+$0xFFFFFFB0]  }
0xce: {  	v8 =	vld.idx.msk [tilespmem:v0+s28+$0x0], $0xffff  }
0xcf: {  	v11 =	vld.idx.msk [tilespmem:v1+s28+$0x0], $0xffff  }
0xd0: {  	v12 =	vld.idx.msk [tilespmem:v2+s28+$0x0], $0xffff  }
0xd1: {  	v13 =	vld.idx.msk [tilespmem:v3+s28+$0x0], $0xffff  }
0xd2: {  	v0 =	vld.idx.msk [tilespmem:v4+s28+$0x0], $0xffff  }
0xd3: {  	s3 =	simm.s32 $0xC0C8;
	v1 =	vld.idx.msk [tilespmem:v5+s28+$0x0], $0xffff  }
0xd4: {  	v2 =	vld.idx.msk [tilespmem:v6+s28+$0x0], $0xffff;
	[tilespmem:s3+$0x40] =	vst v8  }
0xd5: {  	v4 =	vld.idx.msk [tilespmem:v7+s28+$0x0], $0xffff;
	[tilespmem:s3+$0xFFFFFFC0] =	vst v11  }
0xd6: {  	v3 =	vld.idx.msk [tilespmem:v10+s28+$0x0], $0xffff;
	[tilespmem:s3+$0xFFFFFFD0] =	vst v12  }
0xd7: {  	s19 =	simm.s32 $0x0;
	s20 =	simm.s32 $0x82E8;
	v5 =	vld.idx.msk [tilespmem:v9+s28+$0x0], $0xffff;
	[tilespmem:s3+$0xFFFFFFE0] =	vst v13  }
.LBB2_8:
0xd8: {  	v6 =	vld [tilespmem:s20+$0x40];
	s19 =	sadd.s32 $0xA0, s19;
	[tilespmem:s3+$0xFFFFFFF0] =	vst v0  }
0xd9: {  	v0 =	vld [tilespmem:s20+$0xFFFFFFC0];
	p1 =	slt.u32 s19, $0x1EA0;
	[tilespmem:s3+$0x0] =	vst v1  }
0xda: {  	v1 =	vld [tilespmem:s20+$0xFFFFFFD0];
	[tilespmem:s3+$0x10] =	vst v2  }
0xdb: {  	v2 =	vld [tilespmem:s20+$0xFFFFFFE0];
	[tilespmem:s3+$0x20] =	vst v4  }
0xdc: {  	v4 =	vld [tilespmem:s20+$0xFFFFFFF0];
	[tilespmem:s3+$0xFFFFFFB0] =	vst v3  }
0xdd: {  	v3 =	vld [tilespmem:s20+$0x0];
	[tilespmem:s3+$0x30] =	vst v5  }
0xde: {  	v5 =	vld [tilespmem:s20+$0x10]  }
0xdf: {  	v7 =	vld [tilespmem:s20+$0x20]  }
0xe0: {  	v6 =	vld.idx.msk [tilespmem:v6+s28+$0x0], $0xffff  }
0xe1: {  	v8 =	vld [tilespmem:s20+$0x30]  }
0xe2: {  	v9 =	vld [tilespmem:s20+$0xFFFFFFB0]  }
0xe3: {  	v10 =	vld.idx.msk [tilespmem:v0+s28+$0x0], $0xffff  }
0xe4: {  	v11 =	vld.idx.msk [tilespmem:v1+s28+$0x0], $0xffff  }
0xe5: {  	s3 =	sadd.s32 $0xA0, s3;
	v12 =	vld.idx.msk [tilespmem:v2+s28+$0x0], $0xffff  }
0xe6: {  	v0 =	vld.idx.msk [tilespmem:v4+s28+$0x0], $0xffff;
	[tilespmem:s3+$0x40] =	vst v6  }
.Ltmp5:
0xe7: {  	v1 =	vld.idx.msk [tilespmem:v3+s28+$0x0], $0xffff;
	(pc) =	sbr.rel @p1 .LBB2_8-.Ltmp5, $4  }
0xe8: {  	v2 =	vld.idx.msk [tilespmem:v5+s28+$0x0], $0xffff  }
0xe9: {  	[tilespmem:s3+$0xFFFFFFC0] =	vst v10;
	v4 =	vld.idx.msk [tilespmem:v7+s28+$0x0], $0xffff  }
0xea: {  	v3 =	vld.idx.msk [tilespmem:v9+s28+$0x0], $0xffff;
	[tilespmem:s3+$0xFFFFFFD0] =	vst v11  }
0xeb: {  	s20 =	sadd.s32 $0xA0, s20;
	[tilespmem:s3+$0xFFFFFFE0] =	vst v12;
	v5 =	vld.idx.msk [tilespmem:v8+s28+$0x0], $0xffff  }
0xec: {  	[tilespmem:s3+$0xFFFFFFF0] =	vst v0  }
0xed: {  	[tilespmem:s3+$0x0] =	vst v1  }
0xee: {  	[tilespmem:s3+$0x10] =	vst v2  }
0xef: {  	[tilespmem:s3+$0x20] =	vst v4  }
0xf0: {  	[tilespmem:s3+$0xFFFFFFB0] =	vst v3  }
0xf1: {  	[tilespmem:s3+$0x30] =	vst v5  }
0xf2: {  	[hbm4b:s11+s4] =	stream.linear.scatter [tilespmem:s29], [sflag:$0x3], $0x1F40, $0x38;
	[tilespmem:$0xFEF8] =	vst v63  }
0xf3: {  	_ = 	snop  }
0xf4: {  	[tilespmem:s22], [sflag:$0x1] =	stream.linear.gather [hbm4b:s12+s4], $0x1F40, $0x38;
	[tilespmem:$0xFEF8] =	vst v63  }
0xf5: {  	_ =	swait.ge [sflag:s30], $0x1F40  }
0xf6: {  	[sflag:s30] =	ssyncset.done $0x0  }
0xf7: {  	[sflag:s30] =	ssyncadd.s32 $0xFFFFE0C0  }
0xf8: {  	_ =	swait.ge [sflag:s0], $0x1F40  }
0xf9: {  	[sflag:s0] =	ssyncset.done $0x0  }
0xfa: {  	s20 =	simm.s32 $0xA188;
	[sflag:s0] =	ssyncadd.s32 $0xFFFFE0C0  }
0xfb: {  	v0 =	vld [tilespmem:s20+$0x40]  }
0xfc: {  	v1 =	vld [tilespmem:s20+$0xFFFFFFC0]  }
0xfd: {  	v2 =	vld [tilespmem:s20+$0xFFFFFFD0]  }
0xfe: {  	v3 =	vld [tilespmem:s20+$0xFFFFFFE0]  }
0xff: {  	v4 =	vld [tilespmem:s20+$0xFFFFFFF0]  }
0x100: {  	v5 =	vld [tilespmem:s20+$0x0]  }
0x101: {  	v6 =	vld [tilespmem:s20+$0x10]  }
0x102: {  	v7 =	vld [tilespmem:s20+$0x20]  }
0x103: {  	v9 =	vld [tilespmem:s20+$0x30]  }
0x104: {  	v10 =	vld [tilespmem:s20+$0xFFFFFFB0]  }
0x105: {  	v8 =	vld.idx.msk [tilespmem:v0+s28+$0x0], $0xffff  }
0x106: {  	v11 =	vld.idx.msk [tilespmem:v1+s28+$0x0], $0xffff  }
0x107: {  	v12 =	vld.idx.msk [tilespmem:v2+s28+$0x0], $0xffff  }
0x108: {  	v13 =	vld.idx.msk [tilespmem:v3+s28+$0x0], $0xffff  }
0x109: {  	v0 =	vld.idx.msk [tilespmem:v4+s28+$0x0], $0xffff  }
0x10a: {  	s3 =	simm.s32 $0xE008;
	v1 =	vld.idx.msk [tilespmem:v5+s28+$0x0], $0xffff  }
0x10b: {  	v2 =	vld.idx.msk [tilespmem:v6+s28+$0x0], $0xffff;
	[tilespmem:s3+$0x40] =	vst v8  }
0x10c: {  	v4 =	vld.idx.msk [tilespmem:v7+s28+$0x0], $0xffff;
	[tilespmem:s3+$0xFFFFFFC0] =	vst v11  }
0x10d: {  	v3 =	vld.idx.msk [tilespmem:v10+s28+$0x0], $0xffff;
	[tilespmem:s3+$0xFFFFFFD0] =	vst v12  }
0x10e: {  	s19 =	simm.s32 $0x0;
	s20 =	simm.s32 $0xA228;
	v5 =	vld.idx.msk [tilespmem:v9+s28+$0x0], $0xffff;
	[tilespmem:s3+$0xFFFFFFE0] =	vst v13  }
.LBB2_10:
0x10f: {  	v6 =	vld [tilespmem:s20+$0x40];
	s19 =	sadd.s32 $0xA0, s19;
	[tilespmem:s3+$0xFFFFFFF0] =	vst v0  }
0x110: {  	v0 =	vld [tilespmem:s20+$0xFFFFFFC0];
	p1 =	slt.u32 s19, $0x1EA0;
	[tilespmem:s3+$0x0] =	vst v1  }
0x111: {  	v1 =	vld [tilespmem:s20+$0xFFFFFFD0];
	[tilespmem:s3+$0x10] =	vst v2  }
0x112: {  	v2 =	vld [tilespmem:s20+$0xFFFFFFE0];
	[tilespmem:s3+$0x20] =	vst v4  }
0x113: {  	v4 =	vld [tilespmem:s20+$0xFFFFFFF0];
	[tilespmem:s3+$0xFFFFFFB0] =	vst v3  }
0x114: {  	v3 =	vld [tilespmem:s20+$0x0];
	[tilespmem:s3+$0x30] =	vst v5  }
0x115: {  	v5 =	vld [tilespmem:s20+$0x10]  }
0x116: {  	v7 =	vld [tilespmem:s20+$0x20]  }
0x117: {  	v6 =	vld.idx.msk [tilespmem:v6+s28+$0x0], $0xffff  }
0x118: {  	v8 =	vld [tilespmem:s20+$0x30]  }
0x119: {  	v9 =	vld [tilespmem:s20+$0xFFFFFFB0]  }
0x11a: {  	v10 =	vld.idx.msk [tilespmem:v0+s28+$0x0], $0xffff  }
0x11b: {  	v11 =	vld.idx.msk [tilespmem:v1+s28+$0x0], $0xffff  }
0x11c: {  	s3 =	sadd.s32 $0xA0, s3;
	v12 =	vld.idx.msk [tilespmem:v2+s28+$0x0], $0xffff  }
0x11d: {  	v0 =	vld.idx.msk [tilespmem:v4+s28+$0x0], $0xffff;
	[tilespmem:s3+$0x40] =	vst v6  }
.Ltmp6:
0x11e: {  	v1 =	vld.idx.msk [tilespmem:v3+s28+$0x0], $0xffff;
	(pc) =	sbr.rel @p1 .LBB2_10-.Ltmp6, $4  }
0x11f: {  	v2 =	vld.idx.msk [tilespmem:v5+s28+$0x0], $0xffff  }
0x120: {  	[tilespmem:s3+$0xFFFFFFC0] =	vst v10;
	v4 =	vld.idx.msk [tilespmem:v7+s28+$0x0], $0xffff  }
0x121: {  	v3 =	vld.idx.msk [tilespmem:v9+s28+$0x0], $0xffff;
	[tilespmem:s3+$0xFFFFFFD0] =	vst v11  }
0x122: {  	s20 =	sadd.s32 $0xA0, s20;
	[tilespmem:s3+$0xFFFFFFE0] =	vst v12;
	v5 =	vld.idx.msk [tilespmem:v8+s28+$0x0], $0xffff  }
0x123: {  	[tilespmem:s3+$0xFFFFFFF0] =	vst v0  }
0x124: {  	[tilespmem:s3+$0x0] =	vst v1  }
0x125: {  	[tilespmem:s3+$0x10] =	vst v2  }
0x126: {  	[tilespmem:s3+$0x20] =	vst v4  }
0x127: {  	[tilespmem:s3+$0xFFFFFFB0] =	vst v3  }
0x128: {  	[tilespmem:s3+$0x30] =	vst v5  }
0x129: {  	[hbm4b:s13+s4] =	stream.linear.scatter [tilespmem:s31], [sflag:$0x4], $0x1F40, $0x38;
	[tilespmem:$0xFEF8] =	vst v63  }
0x12a: {  	_ = 	snop  }
0x12b: {  	[tilespmem:s25], [sflag:$0x2] =	stream.linear.gather [hbm4b:s14+s4], $0x1F40, $0x38;
	[tilespmem:$0xFEF8] =	vst v63  }
0x12c: {  	_ =	swait.ge [sflag:s26], $0x1F40  }
0x12d: {  	[sflag:s26] =	ssyncset.done $0x0  }
0x12e: {  	[sflag:s26] =	ssyncadd.s32 $0xFFFFE0C0  }
0x12f: {  	_ =	swait.ge [sflag:s2], $0x1F40  }
0x130: {  	[sflag:s2] =	ssyncset.done $0x0  }
0x131: {  	s20 =	simm.s32 $0x8248;
	[sflag:s2] =	ssyncadd.s32 $0xFFFFE0C0  }
0x132: {  	v0 =	vld [tilespmem:s20+$0x40]  }
0x133: {  	v1 =	vld [tilespmem:s20+$0xFFFFFFC0]  }
0x134: {  	v2 =	vld [tilespmem:s20+$0xFFFFFFD0]  }
0x135: {  	v3 =	vld [tilespmem:s20+$0xFFFFFFE0]  }
0x136: {  	v4 =	vld [tilespmem:s20+$0xFFFFFFF0]  }
0x137: {  	v5 =	vld [tilespmem:s20+$0x0]  }
0x138: {  	v6 =	vld [tilespmem:s20+$0x10]  }
0x139: {  	v7 =	vld [tilespmem:s20+$0x20]  }
0x13a: {  	v9 =	vld [tilespmem:s20+$0x30]  }
0x13b: {  	v10 =	vld [tilespmem:s20+$0xFFFFFFB0]  }
0x13c: {  	v8 =	vld.idx.msk [tilespmem:v0+s28+$0x0], $0xffff  }
0x13d: {  	v11 =	vld.idx.msk [tilespmem:v1+s28+$0x0], $0xffff  }
0x13e: {  	v12 =	vld.idx.msk [tilespmem:v2+s28+$0x0], $0xffff  }
0x13f: {  	v13 =	vld.idx.msk [tilespmem:v3+s28+$0x0], $0xffff  }
0x140: {  	v0 =	vld.idx.msk [tilespmem:v4+s28+$0x0], $0xffff  }
0x141: {  	s3 =	simm.s32 $0xC0C8;
	v1 =	vld.idx.msk [tilespmem:v5+s28+$0x0], $0xffff  }
0x142: {  	v2 =	vld.idx.msk [tilespmem:v6+s28+$0x0], $0xffff;
	[tilespmem:s3+$0x40] =	vst v8  }
0x143: {  	v4 =	vld.idx.msk [tilespmem:v7+s28+$0x0], $0xffff;
	[tilespmem:s3+$0xFFFFFFC0] =	vst v11  }
0x144: {  	v3 =	vld.idx.msk [tilespmem:v10+s28+$0x0], $0xffff;
	[tilespmem:s3+$0xFFFFFFD0] =	vst v12  }
0x145: {  	s19 =	simm.s32 $0x0;
	s20 =	simm.s32 $0x82E8;
	v5 =	vld.idx.msk [tilespmem:v9+s28+$0x0], $0xffff;
	[tilespmem:s3+$0xFFFFFFE0] =	vst v13  }
.LBB2_12:
0x146: {  	v6 =	vld [tilespmem:s20+$0x40];
	s19 =	sadd.s32 $0xA0, s19;
	[tilespmem:s3+$0xFFFFFFF0] =	vst v0  }
0x147: {  	v0 =	vld [tilespmem:s20+$0xFFFFFFC0];
	p1 =	slt.u32 s19, $0x1EA0;
	[tilespmem:s3+$0x0] =	vst v1  }
0x148: {  	v1 =	vld [tilespmem:s20+$0xFFFFFFD0];
	[tilespmem:s3+$0x10] =	vst v2  }
0x149: {  	v2 =	vld [tilespmem:s20+$0xFFFFFFE0];
	[tilespmem:s3+$0x20] =	vst v4  }
0x14a: {  	v4 =	vld [tilespmem:s20+$0xFFFFFFF0];
	[tilespmem:s3+$0xFFFFFFB0] =	vst v3  }
0x14b: {  	v3 =	vld [tilespmem:s20+$0x0];
	[tilespmem:s3+$0x30] =	vst v5  }
0x14c: {  	v5 =	vld [tilespmem:s20+$0x10]  }
0x14d: {  	v7 =	vld [tilespmem:s20+$0x20]  }
0x14e: {  	v6 =	vld.idx.msk [tilespmem:v6+s28+$0x0], $0xffff  }
0x14f: {  	v8 =	vld [tilespmem:s20+$0x30]  }
0x150: {  	v9 =	vld [tilespmem:s20+$0xFFFFFFB0]  }
0x151: {  	v10 =	vld.idx.msk [tilespmem:v0+s28+$0x0], $0xffff  }
0x152: {  	v11 =	vld.idx.msk [tilespmem:v1+s28+$0x0], $0xffff  }
0x153: {  	s3 =	sadd.s32 $0xA0, s3;
	v12 =	vld.idx.msk [tilespmem:v2+s28+$0x0], $0xffff  }
0x154: {  	v0 =	vld.idx.msk [tilespmem:v4+s28+$0x0], $0xffff;
	[tilespmem:s3+$0x40] =	vst v6  }
.Ltmp7:
0x155: {  	v1 =	vld.idx.msk [tilespmem:v3+s28+$0x0], $0xffff;
	(pc) =	sbr.rel @p1 .LBB2_12-.Ltmp7, $4  }
0x156: {  	v2 =	vld.idx.msk [tilespmem:v5+s28+$0x0], $0xffff  }
0x157: {  	[tilespmem:s3+$0xFFFFFFC0] =	vst v10;
	v4 =	vld.idx.msk [tilespmem:v7+s28+$0x0], $0xffff  }
0x158: {  	v3 =	vld.idx.msk [tilespmem:v9+s28+$0x0], $0xffff;
	[tilespmem:s3+$0xFFFFFFD0] =	vst v11  }
0x159: {  	s20 =	sadd.s32 $0xA0, s20;
	[tilespmem:s3+$0xFFFFFFE0] =	vst v12;
	v5 =	vld.idx.msk [tilespmem:v8+s28+$0x0], $0xffff  }
0x15a: {  	[tilespmem:s3+$0xFFFFFFF0] =	vst v0  }
0x15b: {  	[tilespmem:s3+$0x0] =	vst v1  }
0x15c: {  	[tilespmem:s3+$0x10] =	vst v2  }
0x15d: {  	[tilespmem:s3+$0x20] =	vst v4  }
0x15e: {  	[tilespmem:s3+$0xFFFFFFB0] =	vst v3  }
0x15f: {  	[tilespmem:s3+$0x30] =	vst v5  }
0x160: {  	[hbm4b:s15+s4] =	stream.linear.scatter [tilespmem:s29], [sflag:$0x3], $0x1F40, $0x38;
	[tilespmem:$0xFEF8] =	vst v63  }
0x161: {  	_ = 	snop  }
0x162: {  	[tilespmem:s22], [sflag:$0x1] =	stream.linear.gather [hbm4b:s16+s4], $0x1F40, $0x38;
	[tilespmem:$0xFEF8] =	vst v63  }
0x163: {  	_ =	swait.ge [sflag:s30], $0x1F40  }
0x164: {  	[sflag:s30] =	ssyncset.done $0x0  }
0x165: {  	[sflag:s30] =	ssyncadd.s32 $0xFFFFE0C0  }
0x166: {  	_ =	swait.ge [sflag:s0], $0x1F40  }
0x167: {  	[sflag:s0] =	ssyncset.done $0x0  }
0x168: {  	s20 =	simm.s32 $0xA188;
	[sflag:s0] =	ssyncadd.s32 $0xFFFFE0C0  }
0x169: {  	v0 =	vld [tilespmem:s20+$0x40]  }
0x16a: {  	v1 =	vld [tilespmem:s20+$0xFFFFFFC0]  }
0x16b: {  	v2 =	vld [tilespmem:s20+$0xFFFFFFD0]  }
0x16c: {  	v3 =	vld [tilespmem:s20+$0xFFFFFFE0]  }
0x16d: {  	v4 =	vld [tilespmem:s20+$0xFFFFFFF0]  }
0x16e: {  	v5 =	vld [tilespmem:s20+$0x0]  }
0x16f: {  	v6 =	vld [tilespmem:s20+$0x10]  }
0x170: {  	v7 =	vld [tilespmem:s20+$0x20]  }
0x171: {  	v9 =	vld [tilespmem:s20+$0x30]  }
0x172: {  	v10 =	vld [tilespmem:s20+$0xFFFFFFB0]  }
0x173: {  	v8 =	vld.idx.msk [tilespmem:v0+s28+$0x0], $0xffff  }
0x174: {  	v11 =	vld.idx.msk [tilespmem:v1+s28+$0x0], $0xffff  }
0x175: {  	v12 =	vld.idx.msk [tilespmem:v2+s28+$0x0], $0xffff  }
0x176: {  	v13 =	vld.idx.msk [tilespmem:v3+s28+$0x0], $0xffff  }
0x177: {  	v0 =	vld.idx.msk [tilespmem:v4+s28+$0x0], $0xffff  }
0x178: {  	s3 =	simm.s32 $0xE008;
	v1 =	vld.idx.msk [tilespmem:v5+s28+$0x0], $0xffff  }
0x179: {  	v2 =	vld.idx.msk [tilespmem:v6+s28+$0x0], $0xffff;
	[tilespmem:s3+$0x40] =	vst v8  }
0x17a: {  	v4 =	vld.idx.msk [tilespmem:v7+s28+$0x0], $0xffff;
	[tilespmem:s3+$0xFFFFFFC0] =	vst v11  }
0x17b: {  	v3 =	vld.idx.msk [tilespmem:v10+s28+$0x0], $0xffff;
	[tilespmem:s3+$0xFFFFFFD0] =	vst v12  }
0x17c: {  	s19 =	simm.s32 $0x0;
	s20 =	simm.s32 $0xA228;
	v5 =	vld.idx.msk [tilespmem:v9+s28+$0x0], $0xffff;
	[tilespmem:s3+$0xFFFFFFE0] =	vst v13  }
.LBB2_14:
0x17d: {  	v6 =	vld [tilespmem:s20+$0x40];
	s19 =	sadd.s32 $0xA0, s19;
	[tilespmem:s3+$0xFFFFFFF0] =	vst v0  }
0x17e: {  	v0 =	vld [tilespmem:s20+$0xFFFFFFC0];
	p1 =	slt.u32 s19, $0x1EA0;
	[tilespmem:s3+$0x0] =	vst v1  }
0x17f: {  	v1 =	vld [tilespmem:s20+$0xFFFFFFD0];
	[tilespmem:s3+$0x10] =	vst v2  }
0x180: {  	v2 =	vld [tilespmem:s20+$0xFFFFFFE0];
	[tilespmem:s3+$0x20] =	vst v4  }
0x181: {  	v4 =	vld [tilespmem:s20+$0xFFFFFFF0];
	[tilespmem:s3+$0xFFFFFFB0] =	vst v3  }
0x182: {  	v3 =	vld [tilespmem:s20+$0x0];
	[tilespmem:s3+$0x30] =	vst v5  }
0x183: {  	v5 =	vld [tilespmem:s20+$0x10]  }
0x184: {  	v7 =	vld [tilespmem:s20+$0x20]  }
0x185: {  	v6 =	vld.idx.msk [tilespmem:v6+s28+$0x0], $0xffff  }
0x186: {  	v8 =	vld [tilespmem:s20+$0x30]  }
0x187: {  	v9 =	vld [tilespmem:s20+$0xFFFFFFB0]  }
0x188: {  	v10 =	vld.idx.msk [tilespmem:v0+s28+$0x0], $0xffff  }
0x189: {  	v11 =	vld.idx.msk [tilespmem:v1+s28+$0x0], $0xffff  }
0x18a: {  	s3 =	sadd.s32 $0xA0, s3;
	v12 =	vld.idx.msk [tilespmem:v2+s28+$0x0], $0xffff  }
0x18b: {  	v0 =	vld.idx.msk [tilespmem:v4+s28+$0x0], $0xffff;
	[tilespmem:s3+$0x40] =	vst v6  }
.Ltmp8:
0x18c: {  	v1 =	vld.idx.msk [tilespmem:v3+s28+$0x0], $0xffff;
	(pc) =	sbr.rel @p1 .LBB2_14-.Ltmp8, $4  }
0x18d: {  	v2 =	vld.idx.msk [tilespmem:v5+s28+$0x0], $0xffff  }
0x18e: {  	[tilespmem:s3+$0xFFFFFFC0] =	vst v10;
	v4 =	vld.idx.msk [tilespmem:v7+s28+$0x0], $0xffff  }
0x18f: {  	v3 =	vld.idx.msk [tilespmem:v9+s28+$0x0], $0xffff;
	[tilespmem:s3+$0xFFFFFFD0] =	vst v11  }
0x190: {  	s20 =	sadd.s32 $0xA0, s20;
	[tilespmem:s3+$0xFFFFFFE0] =	vst v12;
	v5 =	vld.idx.msk [tilespmem:v8+s28+$0x0], $0xffff  }
0x191: {  	[tilespmem:s3+$0xFFFFFFF0] =	vst v0  }
0x192: {  	[tilespmem:s3+$0x0] =	vst v1  }
0x193: {  	[tilespmem:s3+$0x10] =	vst v2  }
0x194: {  	[tilespmem:s3+$0x20] =	vst v4  }
0x195: {  	[tilespmem:s3+$0xFFFFFFB0] =	vst v3  }
0x196: {  	[tilespmem:s3+$0x30] =	vst v5  }
0x197: {  	[hbm4b:s17+s4] =	stream.linear.scatter [tilespmem:s31], [sflag:$0x4], $0x1F40, $0x38;
	[tilespmem:$0xFEF8] =	vst v63  }
0x198: {  	_ =	swait.ge [sflag:s26], $0x1F40  }
0x199: {  	[sflag:s26] =	ssyncset.done $0x0  }
0x19a: {  	[sflag:s26] =	ssyncadd.s32 $0xFFFFE0C0  }
0x19b: {  	_ =	swait.ge [sflag:s2], $0x1F40  }
0x19c: {  	[sflag:s2] =	ssyncset.done $0x0  }
0x19d: {  	s20 =	simm.s32 $0x8248;
	[sflag:s2] =	ssyncadd.s32 $0xFFFFE0C0  }
0x19e: {  	v0 =	vld [tilespmem:s20+$0x40]  }
0x19f: {  	v1 =	vld [tilespmem:s20+$0xFFFFFFC0]  }
0x1a0: {  	v2 =	vld [tilespmem:s20+$0xFFFFFFD0]  }
0x1a1: {  	v3 =	vld [tilespmem:s20+$0xFFFFFFE0]  }
0x1a2: {  	v4 =	vld [tilespmem:s20+$0xFFFFFFF0]  }
0x1a3: {  	v5 =	vld [tilespmem:s20+$0x0]  }
0x1a4: {  	v6 =	vld [tilespmem:s20+$0x10]  }
0x1a5: {  	v7 =	vld [tilespmem:s20+$0x20]  }
0x1a6: {  	v9 =	vld [tilespmem:s20+$0x30]  }
0x1a7: {  	v10 =	vld [tilespmem:s20+$0xFFFFFFB0]  }
0x1a8: {  	v8 =	vld.idx.msk [tilespmem:v0+s28+$0x0], $0xffff  }
0x1a9: {  	v11 =	vld.idx.msk [tilespmem:v1+s28+$0x0], $0xffff  }
0x1aa: {  	v12 =	vld.idx.msk [tilespmem:v2+s28+$0x0], $0xffff  }
0x1ab: {  	v13 =	vld.idx.msk [tilespmem:v3+s28+$0x0], $0xffff  }
0x1ac: {  	v0 =	vld.idx.msk [tilespmem:v4+s28+$0x0], $0xffff  }
0x1ad: {  	s3 =	simm.s32 $0xC0C8;
	v1 =	vld.idx.msk [tilespmem:v5+s28+$0x0], $0xffff  }
0x1ae: {  	v2 =	vld.idx.msk [tilespmem:v6+s28+$0x0], $0xffff;
	[tilespmem:s3+$0x40] =	vst v8  }
0x1af: {  	v4 =	vld.idx.msk [tilespmem:v7+s28+$0x0], $0xffff;
	[tilespmem:s3+$0xFFFFFFC0] =	vst v11  }
0x1b0: {  	v3 =	vld.idx.msk [tilespmem:v10+s28+$0x0], $0xffff;
	[tilespmem:s3+$0xFFFFFFD0] =	vst v12  }
0x1b1: {  	s19 =	simm.s32 $0x0;
	s20 =	simm.s32 $0x82E8;
	v5 =	vld.idx.msk [tilespmem:v9+s28+$0x0], $0xffff;
	[tilespmem:s3+$0xFFFFFFE0] =	vst v13  }
.LBB2_16:
0x1b2: {  	v6 =	vld [tilespmem:s20+$0x40];
	s19 =	sadd.s32 $0xA0, s19;
	[tilespmem:s3+$0xFFFFFFF0] =	vst v0  }
0x1b3: {  	v0 =	vld [tilespmem:s20+$0xFFFFFFC0];
	p1 =	slt.u32 s19, $0x1EA0;
	[tilespmem:s3+$0x0] =	vst v1  }
0x1b4: {  	v1 =	vld [tilespmem:s20+$0xFFFFFFD0];
	[tilespmem:s3+$0x10] =	vst v2  }
0x1b5: {  	v2 =	vld [tilespmem:s20+$0xFFFFFFE0];
	[tilespmem:s3+$0x20] =	vst v4  }
0x1b6: {  	v4 =	vld [tilespmem:s20+$0xFFFFFFF0];
	[tilespmem:s3+$0xFFFFFFB0] =	vst v3  }
0x1b7: {  	v3 =	vld [tilespmem:s20+$0x0];
	[tilespmem:s3+$0x30] =	vst v5  }
0x1b8: {  	v5 =	vld [tilespmem:s20+$0x10]  }
0x1b9: {  	v7 =	vld [tilespmem:s20+$0x20]  }
0x1ba: {  	v6 =	vld.idx.msk [tilespmem:v6+s28+$0x0], $0xffff  }
0x1bb: {  	v8 =	vld [tilespmem:s20+$0x30]  }
0x1bc: {  	v9 =	vld [tilespmem:s20+$0xFFFFFFB0]  }
0x1bd: {  	v10 =	vld.idx.msk [tilespmem:v0+s28+$0x0], $0xffff  }
0x1be: {  	v11 =	vld.idx.msk [tilespmem:v1+s28+$0x0], $0xffff  }
0x1bf: {  	s3 =	sadd.s32 $0xA0, s3;
	v12 =	vld.idx.msk [tilespmem:v2+s28+$0x0], $0xffff  }
0x1c0: {  	v0 =	vld.idx.msk [tilespmem:v4+s28+$0x0], $0xffff;
	[tilespmem:s3+$0x40] =	vst v6  }
.Ltmp9:
0x1c1: {  	v1 =	vld.idx.msk [tilespmem:v3+s28+$0x0], $0xffff;
	(pc) =	sbr.rel @p1 .LBB2_16-.Ltmp9, $4  }
0x1c2: {  	v2 =	vld.idx.msk [tilespmem:v5+s28+$0x0], $0xffff  }
0x1c3: {  	[tilespmem:s3+$0xFFFFFFC0] =	vst v10;
	v4 =	vld.idx.msk [tilespmem:v7+s28+$0x0], $0xffff  }
0x1c4: {  	v3 =	vld.idx.msk [tilespmem:v9+s28+$0x0], $0xffff;
	[tilespmem:s3+$0xFFFFFFD0] =	vst v11  }
0x1c5: {  	s20 =	sadd.s32 $0xA0, s20;
	[tilespmem:s3+$0xFFFFFFE0] =	vst v12;
	v5 =	vld.idx.msk [tilespmem:v8+s28+$0x0], $0xffff  }
0x1c6: {  	[tilespmem:s3+$0xFFFFFFF0] =	vst v0  }
0x1c7: {  	[tilespmem:s3+$0x0] =	vst v1  }
0x1c8: {  	[tilespmem:s3+$0x10] =	vst v2  }
0x1c9: {  	[tilespmem:s3+$0x20] =	vst v4  }
0x1ca: {  	[tilespmem:s3+$0xFFFFFFB0] =	vst v3  }
0x1cb: {  	[tilespmem:s3+$0x30] =	vst v5  }
0x1cc: {  	[hbm4b:s18+s4] =	stream.linear.scatter [tilespmem:s29], [sflag:$0x3], $0x1F40, $0x38;
	[tilespmem:$0xFEF8] =	vst v63  }
0x1cd: {  	_ =	swait.ge [sflag:s0], $0x1F40  }
.Ltmp10:
0x1ce: {  	[sflag:s0] =	ssyncset.done $0x0;
	(pc) =	sbr.rel @p0 .LBB2_21-.Ltmp10, $4  }
0x1cf: {  	[sflag:s0] =	ssyncadd.s32 $0xFFFFE0C0  }
0x1d0: {  	_ =	swait.ge [sflag:s2], $0x1F40  }
0x1d1: {  	[sflag:s2] =	ssyncset.done $0x0  }
0x1d2: {  	[sflag:s2] =	ssyncadd.s32 $0xFFFFE0C0  }
0x1d3: {  	s3 =	rddreg [dreg:$0x5]  }
0x1d4: {  	[tilespmem:s22], [sflag:$0x5] =	stream.linear.gather [hbm4b:s3+s4], $0x1F40, $0x38;
	[tilespmem:$0xFEF8] =	vst v63  }
0x1d5: {  	_ =	swait.ge [sflag:s23], $0x1F40  }
0x1d6: {  	[sflag:s23] =	ssyncset.done $0x0  }
0x1d7: {  	s20 =	simm.s32 $0x8248;
	[sflag:s23] =	ssyncadd.s32 $0xFFFFE0C0  }
0x1d8: {  	v0 =	vld [tilespmem:s20+$0x40]  }
0x1d9: {  	v1 =	vld [tilespmem:s20+$0xFFFFFFC0]  }
0x1da: {  	v2 =	vld [tilespmem:s20+$0xFFFFFFD0]  }
0x1db: {  	v3 =	vld [tilespmem:s20+$0xFFFFFFE0]  }
0x1dc: {  	v4 =	vld [tilespmem:s20+$0xFFFFFFF0]  }
0x1dd: {  	v5 =	vld [tilespmem:s20+$0x0]  }
0x1de: {  	v6 =	vld [tilespmem:s20+$0x10]  }
0x1df: {  	v7 =	vld [tilespmem:s20+$0x20]  }
0x1e0: {  	v9 =	vld [tilespmem:s20+$0x30]  }
0x1e1: {  	v10 =	vld [tilespmem:s20+$0xFFFFFFB0]  }
0x1e2: {  	v8 =	vld.idx.msk [tilespmem:v0+s28+$0x0], $0xffff  }
0x1e3: {  	v11 =	vld.idx.msk [tilespmem:v1+s28+$0x0], $0xffff  }
0x1e4: {  	v12 =	vld.idx.msk [tilespmem:v2+s28+$0x0], $0xffff  }
0x1e5: {  	v13 =	vld.idx.msk [tilespmem:v3+s28+$0x0], $0xffff  }
0x1e6: {  	v0 =	vld.idx.msk [tilespmem:v4+s28+$0x0], $0xffff  }
0x1e7: {  	s3 =	simm.s32 $0xC0C8;
	v1 =	vld.idx.msk [tilespmem:v5+s28+$0x0], $0xffff  }
0x1e8: {  	v2 =	vld.idx.msk [tilespmem:v6+s28+$0x0], $0xffff;
	[tilespmem:s3+$0x40] =	vst v8  }
0x1e9: {  	v4 =	vld.idx.msk [tilespmem:v7+s28+$0x0], $0xffff;
	[tilespmem:s3+$0xFFFFFFC0] =	vst v11  }
0x1ea: {  	v3 =	vld.idx.msk [tilespmem:v10+s28+$0x0], $0xffff;
	[tilespmem:s3+$0xFFFFFFD0] =	vst v12  }
0x1eb: {  	s19 =	simm.s32 $0x0;
	s20 =	simm.s32 $0x82E8;
	v5 =	vld.idx.msk [tilespmem:v9+s28+$0x0], $0xffff;
	[tilespmem:s3+$0xFFFFFFE0] =	vst v13  }
.LBB2_19:
0x1ec: {  	v6 =	vld [tilespmem:s20+$0x40];
	s19 =	sadd.s32 $0xA0, s19;
	[tilespmem:s3+$0xFFFFFFF0] =	vst v0  }
0x1ed: {  	v0 =	vld [tilespmem:s20+$0xFFFFFFC0];
	p1 =	slt.u32 s19, $0x1EA0;
	[tilespmem:s3+$0x0] =	vst v1  }
0x1ee: {  	v1 =	vld [tilespmem:s20+$0xFFFFFFD0];
	[tilespmem:s3+$0x10] =	vst v2  }
0x1ef: {  	v2 =	vld [tilespmem:s20+$0xFFFFFFE0];
	[tilespmem:s3+$0x20] =	vst v4  }
0x1f0: {  	v4 =	vld [tilespmem:s20+$0xFFFFFFF0];
	[tilespmem:s3+$0xFFFFFFB0] =	vst v3  }
0x1f1: {  	v3 =	vld [tilespmem:s20+$0x0];
	[tilespmem:s3+$0x30] =	vst v5  }
0x1f2: {  	v5 =	vld [tilespmem:s20+$0x10]  }
0x1f3: {  	v7 =	vld [tilespmem:s20+$0x20]  }
0x1f4: {  	v6 =	vld.idx.msk [tilespmem:v6+s28+$0x0], $0xffff  }
0x1f5: {  	v8 =	vld [tilespmem:s20+$0x30]  }
0x1f6: {  	v9 =	vld [tilespmem:s20+$0xFFFFFFB0]  }
0x1f7: {  	v10 =	vld.idx.msk [tilespmem:v0+s28+$0x0], $0xffff  }
0x1f8: {  	v11 =	vld.idx.msk [tilespmem:v1+s28+$0x0], $0xffff  }
0x1f9: {  	s3 =	sadd.s32 $0xA0, s3;
	v12 =	vld.idx.msk [tilespmem:v2+s28+$0x0], $0xffff  }
0x1fa: {  	v0 =	vld.idx.msk [tilespmem:v4+s28+$0x0], $0xffff;
	[tilespmem:s3+$0x40] =	vst v6  }
.Ltmp11:
0x1fb: {  	v1 =	vld.idx.msk [tilespmem:v3+s28+$0x0], $0xffff;
	(pc) =	sbr.rel @p1 .LBB2_19-.Ltmp11, $4  }
0x1fc: {  	v2 =	vld.idx.msk [tilespmem:v5+s28+$0x0], $0xffff  }
0x1fd: {  	[tilespmem:s3+$0xFFFFFFC0] =	vst v10;
	v4 =	vld.idx.msk [tilespmem:v7+s28+$0x0], $0xffff  }
0x1fe: {  	v3 =	vld.idx.msk [tilespmem:v9+s28+$0x0], $0xffff;
	[tilespmem:s3+$0xFFFFFFD0] =	vst v11  }
0x1ff: {  	s20 =	sadd.s32 $0xA0, s20;
	[tilespmem:s3+$0xFFFFFFE0] =	vst v12;
	v5 =	vld.idx.msk [tilespmem:v8+s28+$0x0], $0xffff  }
.Ltmp12:
0x200: {  	_ = 	snop;
	(pc) =	sbr.rel .LBB2_20-.Ltmp12, $1  }
0x201: {  	_ =	sdelay $0x3  }
.LBB2_22:
0x202: {  	_ =	sfence.sel $0x180000  }
0x203: {  	[bflag:$0x0] =	sbarrier.arrive $0xFFFF  }
0x204: {  	_ =	strace $0x9000004A  }
0x205: {  	s0 =	stileid.u32;
	[bflag:$0x2] =	sbarrier.arrive $0xFFFF  }
0x206: {  	p0 =	sne.s32 s0, $0x0;
	s0 =	rddreg [dreg:$0x4]  }
0x207: {  	s0 =	sadd.s32 @!p0 $0x100000, s0  }
0x208: {  	[sflag:s0] =	ssyncadd.tile.s32 @!p0 $0x1;
	_ =	shalt  }
.Lfunc_end2:
_tile_overlayer_lowered:
.L_overlay_start_2:
0x209: {  	(tag) =	ssettag $0x2  }
0x20a: {  	s0 =	rddreg [dreg:$0x0];
	s2 =	stileid.u32  }
0x20b: {  	s1 =	rddreg [dreg:$0x1];
	p0 =	sne.s32 s2, $0x0  }
0x20c: {  	s3 =	rddreg [dreg:$0x2];
	[bflag:$0x3] =	sbarrier.arrive $0xFFFF;
	s2 =	simm.s32 @!p0 $0x1C05  }
0x20d: {  	[timem:s3], [sflag:s2] =	dma.local @!p0 [hbm:s0], s1  }
0x20e: {  	s0 =	simm.s32 @!p0 $0x5  }
0x20f: {  	_ =	swait.ge @!p0 [sflag:s0], s1  }
0x210: {  	s1 =	ssub.s32 @!p0 $0x0, s1;
	[sflag:s0] =	ssyncset.done @!p0 $0x0  }
0x211: {  	[sflag:s0] =	ssyncadd.s32 @!p0 s1  }
0x212: {  	[bflag:$0x3] =	sbarrier.arrive $0xFFFF  }
0x213: {  	_ =	shalt  }

// kernel: kernel.7.cloned.1.call-start
scs
__scs_entry_jumppad:
0x0: {  	(pc) =	sbr.rel $0x88, $3  }
0x1: {  	(tag) =	ssettag $0x0;
	lr =	simm.s32 $0x1  }
0x2: {  	[smem:$0x3F9D] =	sst lr;
	_ =	strace $0xD0000000  }
0x3: {  	_ = 	snop  }
0x4: {  	_ = 	snop  }
0x5: {  	_ = 	snop  }
0x6: {  	_ = 	snop  }
0x7: {  	_ = 	snop  }
__scs_overlays_trampoline_lowered:
0x8: {  	[smem:$0x3FAC] =	sst s0  }
0x9: {  	[smem:$0x3FAD] =	sst s1  }
0xa: {  	[smem:$0x3FAE] =	sst s2  }
0xb: {  	[smem:$0x3FAF] =	sst s3  }
0xc: {  	[smem:$0x3FB0] =	sst s4  }
0xd: {  	[smem:$0x3FB1] =	sst s5  }
0xe: {  	[smem:$0x3FB2] =	sst s6  }
0xf: {  	[smem:$0x3FB3] =	sst s7  }
0x10: {  	[smem:$0x3FB4] =	sst s8  }
0x11: {  	[smem:$0x3FB5] =	sst s9;
	s0 =	simm.s32 @!p0 $0x0  }
0x12: {  	s1 =	sld [smem:$0x3F9B];
	s0 =	simm.s32 @p0 $0x1  }
0x13: {  	[smem:$0x3FB6] =	sst s0;
	s0 =	simm.s32 @!p1 $0x0  }
0x14: {  	s2 =	sld [smem:$0x3F9A];
	s0 =	simm.s32 @p1 $0x1  }
0x15: {  	[smem:$0x3FB7] =	sst s0;
	s0 =	simm.s32 @!p2 $0x0  }
0x16: {  	s3 =	sld [smem:$0x3FDB];
	s0 =	simm.s32 @p2 $0x1  }
0x17: {  	s4 =	simm.s32 $0x1BF5;
	[smem:$0x3FB9] =	sst s0  }
0x18: {  	s0 =	sld [smem:$0x3F9C];
	_ =	swait.ge [sflag:s4], $0x0  }
0x19: {  	s7 =	sld [smem:$0x3F9D]  }
0x1a: {  	s8 =	sadd.s32 $0xFFFFE003, lr  }
0x1b: {  	s9 =	sadd.s32 $0xFFFFFEF7, lr;
	s5 =	simm.s32 $0xFFFFFFFF;
	p2 =	slt.u32 s8, $0xFFFFF086  }
0x1c: {  	p1 =	slt.u32 s9, $0xF7A;
	s5 =	simm.s32 @!p2 $0x0  }
0x1d: {  	s5 =	simm.s32 @p1 $0x1;
	p0 =	seq.s32 s7, s2  }
0x1e: {  	s7 =	smul.u32 @!p0 $0xF7A, s2;
	p2 =	seq.s32 @!p0 s5, $0x0  }
0x1f: {  	s9 =	smul.u32 $0xF7A, s1;
	s8 =	simm.s32 @!p0 $0x1BF5;
	p2 =	por !p2, p0  }
0x20: {  	[sflag:s8] =	ssyncset.s32 @!p0 $0xFFFFF086;
	s6 =	sadd.s32 @!p0 s3, s7;
	s7 =	simm.s32 @!p0 $0x108  }
0x21: {  	s3 =	sadd.s32 s3, s9;
	s6 =	sadd.s32 @!p0 $0x88, s6;
	s7 =	simm.s32 @p2 $0x1082  }
0x22: {  	[simem:s7], [sflag:s8] =	dma.local @!p0 [hbm:s6], $0xF7A  }
0x23: {  	s9 =	sor.u32 $0xD0000000, s2;
	s6 =	simm.s32 $0x108;
	_ =	swait.ge @!p0 [sflag:s8], $0x0  }
0x24: {  	s3 =	sadd.s32 $0x88, s3;
	s6 =	simm.s32 @!p1 $0x1082;
	[sflag:s4] =	ssyncset.s32 $0xFFFFF086  }
0x25: {  	[simem:s6], [sflag:s4] =	dma.local [hbm:s3], $0xF7A  }
0x26: {  	[smem:$0x3F9D] =	sst s1;
	(tag) =	ssettag s2;
	_ =	strace s9  }
0x27: {  	s1 =	sld [smem:$0x3FAD]  }
0x28: {  	s2 =	sld [smem:$0x3FAE]  }
0x29: {  	s4 =	sld [smem:$0x3FB0]  }
0x2a: {  	p0 =	seq.s32 s5, $0x0;
	s5 =	sld [smem:$0x3FB1]  }
0x2b: {  	s6 =	sld [smem:$0x3FB2]  }
0x2c: {  	s7 =	sld [smem:$0x3FB3]  }
0x2d: {  	s3 =	simm.s32 $0x108;
	s8 =	sld [smem:$0x3FB4]  }
0x2e: {  	s3 =	simm.s32 @!p0 $0x1082;
	s9 =	sld [smem:$0x3FB5]  }
0x2f: {  	lr =	sadd.s32 s0, s3;
	s0 =	sld [smem:$0x3FAC]  }
0x30: {  	s3 =	sld [smem:$0x3FAF]  }
0x31: {  	[smem:$0x3FB8] =	sst s10  }
0x32: {  	s10 =	sld [smem:$0x3FB6];
	_ =	sdelay $0x3  }
0x33: {  	p0 =	seq.s32 s10, $0x1;
	s10 =	sld [smem:$0x3FB8];
	_ =	sdelay $0x3  }
0x34: {  	[smem:$0x3FB8] =	sst s10  }
0x35: {  	s10 =	sld [smem:$0x3FB7];
	_ =	sdelay $0x3  }
0x36: {  	p1 =	seq.s32 s10, $0x1;
	s10 =	sld [smem:$0x3FB8];
	_ =	sdelay $0x3  }
0x37: {  	[smem:$0x3FB8] =	sst s10  }
0x38: {  	s10 =	sld [smem:$0x3FB9]  }
0x39: {  	_ = 	snop;
	(pc) =	sbr.ind lr, $3  }
0x3a: {  	_ = 	snop  }
0x3b: {  	_ = 	snop  }
0x3c: {  	p2 =	seq.s32 s10, $0x1;
	s10 =	sld [smem:$0x3FB8]  }
0x3d: {  	_ =	shalt  }
0x3e: {  	_ =	shalt  }
0x3f: {  	_ =	shalt  }
0x40: {  	_ =	shalt  }
0x41: {  	_ =	shalt  }
0x42: {  	_ =	shalt  }
0x43: {  	_ =	shalt  }
0x44: {  	_ =	shalt  }
0x45: {  	_ =	shalt  }
0x46: {  	_ =	shalt  }
0x47: {  	_ =	shalt  }
0x48: {  	_ =	shalt  }
0x49: {  	_ =	shalt  }
0x4a: {  	_ =	shalt  }
0x4b: {  	_ =	shalt  }
0x4c: {  	_ =	shalt  }
0x4d: {  	_ =	shalt  }
0x4e: {  	_ =	shalt  }
0x4f: {  	_ =	shalt  }
0x50: {  	_ =	shalt  }
0x51: {  	_ =	shalt  }
0x52: {  	_ =	shalt  }
0x53: {  	_ =	shalt  }
0x54: {  	_ =	shalt  }
0x55: {  	_ =	shalt  }
0x56: {  	_ =	shalt  }
0x57: {  	_ =	shalt  }
0x58: {  	_ =	shalt  }
0x59: {  	_ =	shalt  }
0x5a: {  	_ =	shalt  }
0x5b: {  	_ =	shalt  }
0x5c: {  	_ =	shalt  }
0x5d: {  	_ =	shalt  }
0x5e: {  	_ =	shalt  }
0x5f: {  	_ =	shalt  }
0x60: {  	_ =	shalt  }
0x61: {  	_ =	shalt  }
0x62: {  	_ =	shalt  }
0x63: {  	_ =	shalt  }
0x64: {  	_ =	shalt  }
0x65: {  	_ =	shalt  }
0x66: {  	_ =	shalt  }
0x67: {  	_ =	shalt  }
0x68: {  	_ =	shalt  }
0x69: {  	_ =	shalt  }
0x6a: {  	_ =	shalt  }
0x6b: {  	_ =	shalt  }
0x6c: {  	_ =	shalt  }
0x6d: {  	_ =	shalt  }
0x6e: {  	_ =	shalt  }
0x6f: {  	_ =	shalt  }
0x70: {  	_ =	shalt  }
0x71: {  	_ =	shalt  }
0x72: {  	_ =	shalt  }
0x73: {  	_ =	shalt  }
0x74: {  	_ =	shalt  }
0x75: {  	_ =	shalt  }
0x76: {  	_ =	shalt  }
0x77: {  	_ =	shalt  }
0x78: {  	_ =	shalt  }
0x79: {  	_ =	shalt  }
0x7a: {  	_ =	shalt  }
0x7b: {  	_ =	shalt  }
0x7c: {  	_ =	shalt  }
0x7d: {  	_ =	shalt  }
0x7e: {  	_ =	shalt  }
0x7f: {  	_ =	shalt  }
0x80: {  	_ =	shalt  }
0x81: {  	_ =	shalt  }
0x82: {  	_ =	shalt  }
0x83: {  	_ =	shalt  }
0x84: {  	_ =	shalt  }
0x85: {  	_ =	shalt  }
0x86: {  	_ =	shalt  }
0x87: {  	_ =	shalt  }
.Lfunc_end0:
.L_simem_size_0:
called_computation.1_lowered:
.L_overlay_start_0:
0x88: {  	s2 =	sld [smem:$0x3FD9]  }
0x89: {  	s3 =	sld [smem:$0x3FFE];
	_ =	sdelay $0x1  }
0x8a: {  	s1 =	srdreg.scid  }
0x8b: {  	s0 =	sand.u32 $0x1, s1  }
0x8c: {  	s17 =	sshll.u32 s0, $0xA;
	s2 =	sadd.s32 s3, s2  }
0x8d: {  	s2 =	sadd.s32 s2, s17  }
0x8e: {  	[smem:$0x3FC4] =	sst s2  }
0x8f: {  	_ = 	snop  }
0x90: {  	s2 =	sld [smem:$0x3FC9]  }
0x91: {  	s18 =	sld [smem:$0x3FC8]  }
0x92: {  	s4 =	sld [smem:$0x3FC6];
	(tm) =	ssettm $0x1  }
0x93: {  	s5 =	sld [smem:$0x3FFB];
	_ =	sdelay $0x3  }
0x94: {  	_ =	strace s5  }
0x95: {  	s5 =	sld [smem:$0x3FFC];
	_ =	sdelay $0x3  }
0x96: {  	_ =	strace s5  }
0x97: {  	s5 =	sld [smem:$0x3FFD];
	_ =	sdelay $0x3  }
0x98: {  	_ =	strace s5  }
0x99: {  	_ =	strace $0x8FFFFFFF  }
0x9a: {  	s19 =	sld [smem:$0x3FDB];
	_ =	sdelay $0x1  }
0x9b: {  	s6 =	simm.s32 $_scs_section_size  }
0x9c: {  	s7 =	simm.s32 $_size__tile_overlayer_lowered;
	s8 =	simm.s32 $_tile_overlayer_lowered  }
0x9d: {  	s22 =	simm.s32 $0x1BFF;
	s21 =	sshll.u32 s8, $0x1;
	s5 =	sadd.s32 s6, s19  }
0x9e: {  	s9 =	simm.s32 $0x0;
	s20 =	sshll.u32 s7, $0x1;
	s7 =	sadd.s32 s21, s5  }
0x9f: {  	[timem:s9], [sflag:s22] =	dma.local [hbm:s7], s20  }
0xa0: {  	_ =	swait.ge [sflag:s22], s20  }
0xa1: {  	s6 =	ssub.s32 $0x0, s20;
	[sflag:s22] =	ssyncset.done $0x0  }
0xa2: {  	[sflag:s22] =	ssyncadd.s32 s6;
	_ =	sdelay $0x1  }
0xa3: {  	s23 =	simm.s32 $0x1B8B  }
0xa4: {  	_ =	swait.ge [sflag:s23], $0x1  }
0xa5: {  	[sflag:s23] =	ssyncset.done $0x0  }
0xa6: {  	s25 =	simm.s32 $0x1B8E;
	s24 =	sld [smem:$0x3FFE];
	[sflag:s23] =	ssyncadd.s32 $0xFFFFFFFF  }
0xa7: {  	s26 =	simm.s32 $execute0_lowered;
	[smem:$0x3FD2] =	sst s25  }
0xa8: {  	s7 =	sshll.u32 s26, $0x1;
	_ =	strace $0x80000046;
	[dreg:$0x1] =	wrdreg $0xFFFFFFFF  }
0xa9: {  	s28 =	simm.s32 $_size_execute0_lowered;
	s5 =	sadd.s32 s5, s7;
	[dreg:$0x0] =	wrdreg $0x0  }
0xaa: {  	s7 =	sshll.u32 s28, $0x1;
	[dreg:$0x2] =	wrdreg s5  }
0xab: {  	[dreg:$0x3] =	wrdreg s7  }
0xac: {  	[dreg:$0x4] =	wrdreg $0xC0  }
0xad: {  	_ =	task [dreg:s9], $0x5FFFF  }
0xae: {  	[dreg:$0x1] =	wrdreg $0xFFFFFFFF  }
0xaf: {  	[dreg:$0x0] =	wrdreg $0x60  }
0xb0: {  	[dreg:$0x2] =	wrdreg s2  }
0xb1: {  	[dreg:$0x3] =	wrdreg s18  }
0xb2: {  	[dreg:$0x4] =	wrdreg s4  }
0xb3: {  	[dreg:$0x5] =	wrdreg s24  }
0xb4: {  	[dreg:$0x6] =	wrdreg $0xA  }
0xb5: {  	_ =	task.clear_ibuf [dreg:s9], $0x7FFFF;
	_ =	strace $0x90000046  }
0xb6: {  	s29 =	simm.s32 $0xA;
	_ =	strace $0x80000048  }
0xb7: {  	_ =	swait.ge [sflag:s29], $0x1  }
0xb8: {  	[sflag:s29] =	ssyncadd.s32 $0xFFFFFFFF  }
0xb9: {  	_ =	strace $0x90000048  }
0xba: {  	_ =	sfence  }
0xbb: {  	s30 =	sld [smem:$0x0];
	_ =	sdelay $0x2  }
0xbc: {  	s31 =	sshll.u32 s1, $0xD;
	s1 =	sshrl.u32 s1, $0x2  }
0xbd: {  	s3 =	sand.u32 $0x4000, s31;
	s1 =	sadd.s32 s1, s30  }
0xbe: {  	s0 =	sor.u32 s3, s0;
	s1 =	sshll.u32 s1, $0x11  }
0xbf: {  	s0 =	sor.u32 s1, s0  }
0xc0: {  	s0 =	sadd.s32 $0x8F2B, s0  }
0xc1: {  	[sflag:s0] =	ssyncadd.remote.s32 $0x1  }
0xc2: {  	_ =	sfence.sel $0xFFFF  }
0xc3: {  	[dreg:$0x0] =	wrdreg $0xFFFFFFFF;
	(pc) =	sbr.abs _section_cstart, $3  }
0xc4: {  	[dreg:$0x1] =	wrdreg $0xFFFFFFFF  }
0xc5: {  	_ =	task.clear_ibuf [dreg:s9], $0x2FFFF;
	_ =	strace $0x9FFFFFFF  }
0xc6: {  	(tm) =	ssettm $0x7FFFFFFF  }
0xc7: {  	_ =	shalt  }
tec
execute0_lowered:
.L_overlay_start_1:
0x0: {  	(tag) =	ssettag $0x1  }
0x1: {  	s0 =	rddreg [dreg:$0x0]  }
0x2: {  	s1 =	srdreg.scid;
	s20 =	stileid.u32  }
0x3: {  	s2 =	rddreg [dreg:$0x3];
	s4 =	simm.s32 $0x0;
	s22 =	simm.s32 $0x81F8  }
0x4: {  	s23 =	simm.s32 $0x5;
	s28 =	simm.s32 $0x41F8;
	s29 =	simm.s32 $0xC078  }
0x5: {  	s30 =	simm.s32 $0x2;
	s1 =	sand.u32 $0x1, s1;
	s3 =	sshll.u32 s20, $0x1  }
0x6: {  	s31 =	simm.s32 $0xDFB8;
	[smem:$0x7FF] =	sst s4;
	s3 =	sor.u32 s1, s3  }
0x7: {  	s2 =	sadd.s32 $0x800, s2;
	s1 =	ssub.s32 $0x2, s1;
	s5 =	smul.u32 $0x1F40, s3  }
0x8: {  	p0 =	sgt.u32 s20, $0xC;
	s6 =	sshrl.u32 s1, $0x1;
	s3 =	smul.u32 $0x3E8, s3  }
0x9: {  	_ =	strace $0x80000047;
	s1 =	ssub.s32 s1, s6;
	s17 =	sshrl.u32 s5, $0x3  }
0xa: {  	s5 =	sadd.s32 s0, s3;
	s7 =	sadd.s32 s2, s3;
	s21 =	smax.u32 s1, $0x1  }
0xb: {  	s1 =	simm.s32 $0x0;
	s9 =	sadd.s32 $0x7D00, s17;
	s11 =	sadd.s32 $0xFA00, s17  }
0xc: {  	s24 =	sadd.s32 $0x17700, s17;
	s15 =	sadd.s32 $0x1F400, s17;
	s18 =	sadd.s32 $0x27100, s17  }
0xd: {  	s25 =	sadd.s32 $0x2EE00, s17;
	s19 =	sadd.s32 $0x36B00, s17;
	s6 =	sadd.s32 s0, s9  }
0xe: {  	s8 =	sadd.s32 s0, s11;
	s9 =	sadd.s32 s2, s9;
	s10 =	sadd.s32 s0, s24  }
0xf: {  	s11 =	sadd.s32 s2, s11;
	s12 =	sadd.s32 s0, s15;
	s13 =	sadd.s32 s2, s24  }
.Ltmp0:
0x10: {  	s14 =	sadd.s32 s0, s18;
	s15 =	sadd.s32 s2, s15;
	(pc) =	sbr.rel .LBB2_1-.Ltmp0, $4  }
0x11: {  	s16 =	sadd.s32 s0, s25;
	s17 =	sadd.s32 s2, s18;
	s18 =	sadd.s32 s2, s25  }
0x12: {  	s0 =	sadd.s32 s0, s19;
	s26 =	sadd.s32 s2, s19;
	s24 =	simm.s32 $0x4000  }
0x13: {  	s25 =	simm.s32 $0xA138;
	s2 =	simm.s32 $0x3;
	[dreg:$0x5] =	wrdreg s0  }
0x14: {  	[dreg:$0x6] =	wrdreg s26;
	s26 =	simm.s32 $0x1;
	s0 =	simm.s32 $0x4  }
.LBB2_20:
0x15: {  	[tilespmem:s3+$0xFFFFFFF0] =	vst v0  }
0x16: {  	[tilespmem:s3+$0x0] =	vst v1  }
0x17: {  	[tilespmem:s3+$0x10] =	vst v2  }
0x18: {  	[tilespmem:s3+$0x20] =	vst v4  }
0x19: {  	[tilespmem:s3+$0xFFFFFFB0] =	vst v3  }
0x1a: {  	[tilespmem:s3+$0x30] =	vst v5  }
0x1b: {  	s3 =	rddreg [dreg:$0x6]  }
0x1c: {  	[hbm4b:s3+s4] =	stream.linear.scatter [tilespmem:s29], [sflag:$0x5], $0x1F40, $0x38;
	[tilespmem:$0xFEF8] =	vst v63  }
0x1d: {  	_ =	swait.ge [sflag:s23], $0x1F40  }
0x1e: {  	[sflag:s23] =	ssyncset.done $0x0  }
0x1f: {  	[sflag:s23] =	ssyncadd.s32 $0xFFFFE0C0  }
.LBB2_21:
0x20: {  	s1 =	sadd.s32 $0x1, s1  }
0x21: {  	p1 =	sne.s32 s1, s21  }
.Ltmp1:
0x22: {  	_ = 	snop;
	(pc) =	sbr.rel @!p1 .LBB2_22-.Ltmp1, $1  }
0x23: {  	_ =	sdelay $0x3  }
.LBB2_1:
0x24: {  	[tilespmem:s22], [sflag:$0x1] =	stream.linear.gather [hbm4b:s5+s4], $0x1F40, $0x38;
	[tilespmem:$0xFEF8] =	vst v63  }
0x25: {  	s3 =	rddreg [dreg:$0x1]  }
0x26: {  	[tilespmem:s4], [sflag:$0x5] =	stream.linear.gather [hbm4b:s3+s4], $0x4000, $0x38;
	[tilespmem:$0xFEF8] =	vst v63  }
0x27: {  	_ =	swait.ge [sflag:s23], $0x4000  }
0x28: {  	[sflag:s23] =	ssyncset.done $0x0  }
0x29: {  	[sflag:s23] =	ssyncadd.s32 $0xFFFFC000  }
0x2a: {  	s19 =	rddreg [dreg:$0x2]  }
0x2b: {  	[tilespmem:s24], [sflag:$0x5] =	stream.linear.gather [hbm4b:s19+s4], $0x1F8, $0x38;
	[tilespmem:$0xFEF8] =	vst v63  }
0x2c: {  	_ =	swait.ge [sflag:s23], $0x1F8  }
0x2d: {  	[sflag:s23] =	ssyncset.done $0x0  }
0x2e: {  	s20 =	simm.s32 $0x40;
	[sflag:s23] =	ssyncadd.s32 $0xFFFFFE08  }
0x2f: {  	v0 =	vld [tilespmem:s20+$0x30]  }
0x30: {  	v1 =	vld [tilespmem:s20+$0xFFFFFFD0]  }
0x31: {  	v2 =	vld [tilespmem:s20+$0xFFFFFFE0]  }
0x32: {  	v3 =	vld [tilespmem:s20+$0xFFFFFFF0]  }
0x33: {  	v4 =	vld [tilespmem:s20+$0x0]  }
0x34: {  	v6 =	vld [tilespmem:s20+$0x10]  }
0x35: {  	v7 =	vld [tilespmem:s20+$0x20]  }
0x36: {  	v8 =	vld [tilespmem:s20+$0xFFFFFFC0]  }
0x37: {  	v9 =	vld.idx.msk [tilespmem:v0+s24+$0x0], $0xffff  }
0x38: {  	v10 =	vld.idx.msk [tilespmem:v1+s24+$0x0], $0xffff  }
0x39: {  	v5 =	vld.idx.msk [tilespmem:v2+s24+$0x0], $0xffff  }
0x3a: {  	v3 =	vld.idx.msk [tilespmem:v3+s24+$0x0], $0xffff  }
0x3b: {  	v0 =	vld.idx.msk [tilespmem:v4+s24+$0x0], $0xffff  }
0x3c: {  	s3 =	simm.s32 $0x4238;
	v1 =	vld.idx.msk [tilespmem:v6+s24+$0x0], $0xffff  }
0x3d: {  	v2 =	vld.idx.msk [tilespmem:v7+s24+$0x0], $0xffff;
	[tilespmem:s3+$0x30] =	vst v9  }
0x3e: {  	s19 =	simm.s32 $0x0;
	s20 =	simm.s32 $0xC0;
	v4 =	vld.idx.msk [tilespmem:v8+s24+$0x0], $0xffff;
	[tilespmem:s3+$0xFFFFFFD0] =	vst v10  }
.LBB2_2:
0x3f: {  	v6 =	vld [tilespmem:s20+$0x30];
	s19 =	sadd.s32 $0x80, s19;
	[tilespmem:s3+$0xFFFFFFE0] =	vst v5  }
0x40: {  	v5 =	vld [tilespmem:s20+$0xFFFFFFD0];
	p1 =	slt.u32 s19, $0x3F80;
	[tilespmem:s3+$0xFFFFFFF0] =	vst v3  }
0x41: {  	v3 =	vld [tilespmem:s20+$0xFFFFFFE0];
	[tilespmem:s3+$0x0] =	vst v0  }
0x42: {  	v0 =	vld [tilespmem:s20+$0xFFFFFFF0];
	[tilespmem:s3+$0x10] =	vst v1  }
0x43: {  	v1 =	vld [tilespmem:s20+$0x0];
	[tilespmem:s3+$0x20] =	vst v2  }
0x44: {  	v2 =	vld [tilespmem:s20+$0x10];
	[tilespmem:s3+$0xFFFFFFC0] =	vst v4  }
0x45: {  	v4 =	vld [tilespmem:s20+$0x20]  }
0x46: {  	v7 =	vld [tilespmem:s20+$0xFFFFFFC0]  }
0x47: {  	v6 =	vld.idx.msk [tilespmem:v6+s24+$0x0], $0xffff  }
0x48: {  	v8 =	vld.idx.msk [tilespmem:v5+s24+$0x0], $0xffff  }
0x49: {  	v5 =	vld.idx.msk [tilespmem:v3+s24+$0x0], $0xffff  }
.Ltmp2:
0x4a: {  	v3 =	vld.idx.msk [tilespmem:v0+s24+$0x0], $0xffff;
	(pc) =	sbr.rel @p1 .LBB2_2-.Ltmp2, $4  }
0x4b: {  	v0 =	vld.idx.msk [tilespmem:v1+s24+$0x0], $0xffff  }
0x4c: {  	s3 =	sadd.s32 $0x80, s3;
	v1 =	vld.idx.msk [tilespmem:v2+s24+$0x0], $0xffff  }
0x4d: {  	v2 =	vld.idx.msk [tilespmem:v4+s24+$0x0], $0xffff;
	[tilespmem:s3+$0x30] =	vst v6  }
0x4e: {  	s20 =	sadd.s32 $0x80, s20;
	v4 =	vld.idx.msk [tilespmem:v7+s24+$0x0], $0xffff;
	[tilespmem:s3+$0xFFFFFFD0] =	vst v8  }
0x4f: {  	[tilespmem:s3+$0xFFFFFFE0] =	vst v5  }
0x50: {  	[tilespmem:s3+$0xFFFFFFF0] =	vst v3  }
0x51: {  	[tilespmem:s3+$0x0] =	vst v0  }
0x52: {  	[tilespmem:s3+$0x10] =	vst v1  }
0x53: {  	[tilespmem:s3+$0x20] =	vst v2  }
0x54: {  	[tilespmem:s3+$0xFFFFFFC0] =	vst v4  }
0x55: {  	[tilespmem:s25], [sflag:$0x2] =	stream.linear.gather [hbm4b:s6+s4], $0x1F40, $0x38;
	[tilespmem:$0xFEF8] =	vst v63  }
0x56: {  	_ =	swait.ge [sflag:s26], $0x1F40  }
0x57: {  	[sflag:s26] =	ssyncset.done $0x0  }
0x58: {  	s20 =	simm.s32 $0x8248;
	[sflag:s26] =	ssyncadd.s32 $0xFFFFE0C0  }
0x59: {  	v0 =	vld [tilespmem:s20+$0x40]  }
0x5a: {  	v1 =	vld [tilespmem:s20+$0xFFFFFFC0]  }
0x5b: {  	v2 =	vld [tilespmem:s20+$0xFFFFFFD0]  }
0x5c: {  	v3 =	vld [tilespmem:s20+$0xFFFFFFE0]  }
0x5d: {  	v4 =	vld [tilespmem:s20+$0xFFFFFFF0]  }
0x5e: {  	v5 =	vld [tilespmem:s20+$0x0]  }
0x5f: {  	v6 =	vld [tilespmem:s20+$0x10]  }
0x60: {  	v7 =	vld [tilespmem:s20+$0x20]  }
0x61: {  	v9 =	vld [tilespmem:s20+$0x30]  }
0x62: {  	v10 =	vld [tilespmem:s20+$0xFFFFFFB0]  }
0x63: {  	v8 =	vld.idx.msk [tilespmem:v0+s28+$0x0], $0xffff  }
0x64: {  	v11 =	vld.idx.msk [tilespmem:v1+s28+$0x0], $0xffff  }
0x65: {  	v12 =	vld.idx.msk [tilespmem:v2+s28+$0x0], $0xffff  }
0x66: {  	v13 =	vld.idx.msk [tilespmem:v3+s28+$0x0], $0xffff  }
0x67: {  	v0 =	vld.idx.msk [tilespmem:v4+s28+$0x0], $0xffff  }
0x68: {  	s3 =	simm.s32 $0xC0C8;
	v1 =	vld.idx.msk [tilespmem:v5+s28+$0x0], $0xffff  }
0x69: {  	v2 =	vld.idx.msk [tilespmem:v6+s28+$0x0], $0xffff;
	[tilespmem:s3+$0x40] =	vst v8  }
0x6a: {  	v4 =	vld.idx.msk [tilespmem:v7+s28+$0x0], $0xffff;
	[tilespmem:s3+$0xFFFFFFC0] =	vst v11  }
0x6b: {  	v3 =	vld.idx.msk [tilespmem:v10+s28+$0x0], $0xffff;
	[tilespmem:s3+$0xFFFFFFD0] =	vst v12  }
0x6c: {  	s19 =	simm.s32 $0x0;
	s20 =	simm.s32 $0x82E8;
	v5 =	vld.idx.msk [tilespmem:v9+s28+$0x0], $0xffff;
	[tilespmem:s3+$0xFFFFFFE0] =	vst v13  }
.LBB2_4:
0x6d: {  	v6 =	vld [tilespmem:s20+$0x40];
	s19 =	sadd.s32 $0xA0, s19;
	[tilespmem:s3+$0xFFFFFFF0] =	vst v0  }
0x6e: {  	v0 =	vld [tilespmem:s20+$0xFFFFFFC0];
	p1 =	slt.u32 s19, $0x1EA0;
	[tilespmem:s3+$0x0] =	vst v1  }
0x6f: {  	v1 =	vld [tilespmem:s20+$0xFFFFFFD0];
	[tilespmem:s3+$0x10] =	vst v2  }
0x70: {  	v2 =	vld [tilespmem:s20+$0xFFFFFFE0];
	[tilespmem:s3+$0x20] =	vst v4  }
0x71: {  	v4 =	vld [tilespmem:s20+$0xFFFFFFF0];
	[tilespmem:s3+$0xFFFFFFB0] =	vst v3  }
0x72: {  	v3 =	vld [tilespmem:s20+$0x0];
	[tilespmem:s3+$0x30] =	vst v5  }
0x73: {  	v5 =	vld [tilespmem:s20+$0x10]  }
0x74: {  	v7 =	vld [tilespmem:s20+$0x20]  }
0x75: {  	v6 =	vld.idx.msk [tilespmem:v6+s28+$0x0], $0xffff  }
0x76: {  	v8 =	vld [tilespmem:s20+$0x30]  }
0x77: {  	v9 =	vld [tilespmem:s20+$0xFFFFFFB0]  }
0x78: {  	v10 =	vld.idx.msk [tilespmem:v0+s28+$0x0], $0xffff  }
0x79: {  	v11 =	vld.idx.msk [tilespmem:v1+s28+$0x0], $0xffff  }
0x7a: {  	s3 =	sadd.s32 $0xA0, s3;
	v12 =	vld.idx.msk [tilespmem:v2+s28+$0x0], $0xffff  }
0x7b: {  	v0 =	vld.idx.msk [tilespmem:v4+s28+$0x0], $0xffff;
	[tilespmem:s3+$0x40] =	vst v6  }
.Ltmp3:
0x7c: {  	v1 =	vld.idx.msk [tilespmem:v3+s28+$0x0], $0xffff;
	(pc) =	sbr.rel @p1 .LBB2_4-.Ltmp3, $4  }
0x7d: {  	v2 =	vld.idx.msk [tilespmem:v5+s28+$0x0], $0xffff  }
0x7e: {  	[tilespmem:s3+$0xFFFFFFC0] =	vst v10;
	v4 =	vld.idx.msk [tilespmem:v7+s28+$0x0], $0xffff  }
0x7f: {  	v3 =	vld.idx.msk [tilespmem:v9+s28+$0x0], $0xffff;
	[tilespmem:s3+$0xFFFFFFD0] =	vst v11  }
0x80: {  	s20 =	sadd.s32 $0xA0, s20;
	[tilespmem:s3+$0xFFFFFFE0] =	vst v12;
	v5 =	vld.idx.msk [tilespmem:v8+s28+$0x0], $0xffff  }
0x81: {  	[tilespmem:s3+$0xFFFFFFF0] =	vst v0  }
0x82: {  	[tilespmem:s3+$0x0] =	vst v1  }
0x83: {  	[tilespmem:s3+$0x10] =	vst v2  }
0x84: {  	[tilespmem:s3+$0x20] =	vst v4  }
0x85: {  	[tilespmem:s3+$0xFFFFFFB0] =	vst v3  }
0x86: {  	[tilespmem:s3+$0x30] =	vst v5  }
0x87: {  	[hbm4b:s7+s4] =	stream.linear.scatter [tilespmem:s29], [sflag:$0x3], $0x1F40, $0x38;
	[tilespmem:$0xFEF8] =	vst v63  }
0x88: {  	_ = 	snop  }
0x89: {  	[tilespmem:s22], [sflag:$0x1] =	stream.linear.gather [hbm4b:s8+s4], $0x1F40, $0x38;
	[tilespmem:$0xFEF8] =	vst v63  }
0x8a: {  	_ =	swait.ge [sflag:s30], $0x1F40  }
0x8b: {  	[sflag:s30] =	ssyncset.done $0x0  }
0x8c: {  	s20 =	simm.s32 $0xA188;
	[sflag:s30] =	ssyncadd.s32 $0xFFFFE0C0  }
0x8d: {  	v0 =	vld [tilespmem:s20+$0x40]  }
0x8e: {  	v1 =	vld [tilespmem:s20+$0xFFFFFFC0]  }
0x8f: {  	v2 =	vld [tilespmem:s20+$0xFFFFFFD0]  }
0x90: {  	v3 =	vld [tilespmem:s20+$0xFFFFFFE0]  }
0x91: {  	v4 =	vld [tilespmem:s20+$0xFFFFFFF0]  }
0x92: {  	v5 =	vld [tilespmem:s20+$0x0]  }
0x93: {  	v6 =	vld [tilespmem:s20+$0x10]  }
0x94: {  	v7 =	vld [tilespmem:s20+$0x20]  }
0x95: {  	v9 =	vld [tilespmem:s20+$0x30]  }
0x96: {  	v10 =	vld [tilespmem:s20+$0xFFFFFFB0]  }
0x97: {  	v8 =	vld.idx.msk [tilespmem:v0+s28+$0x0], $0xffff  }
0x98: {  	v11 =	vld.idx.msk [tilespmem:v1+s28+$0x0], $0xffff  }
0x99: {  	v12 =	vld.idx.msk [tilespmem:v2+s28+$0x0], $0xffff  }
0x9a: {  	v13 =	vld.idx.msk [tilespmem:v3+s28+$0x0], $0xffff  }
0x9b: {  	v0 =	vld.idx.msk [tilespmem:v4+s28+$0x0], $0xffff  }
0x9c: {  	s3 =	simm.s32 $0xE008;
	v1 =	vld.idx.msk [tilespmem:v5+s28+$0x0], $0xffff  }
0x9d: {  	v2 =	vld.idx.msk [tilespmem:v6+s28+$0x0], $0xffff;
	[tilespmem:s3+$0x40] =	vst v8  }
0x9e: {  	v4 =	vld.idx.msk [tilespmem:v7+s28+$0x0], $0xffff;
	[tilespmem:s3+$0xFFFFFFC0] =	vst v11  }
0x9f: {  	v3 =	vld.idx.msk [tilespmem:v10+s28+$0x0], $0xffff;
	[tilespmem:s3+$0xFFFFFFD0] =	vst v12  }
0xa0: {  	s19 =	simm.s32 $0x0;
	s20 =	simm.s32 $0xA228;
	v5 =	vld.idx.msk [tilespmem:v9+s28+$0x0], $0xffff;
	[tilespmem:s3+$0xFFFFFFE0] =	vst v13  }
.LBB2_6:
0xa1: {  	v6 =	vld [tilespmem:s20+$0x40];
	s19 =	sadd.s32 $0xA0, s19;
	[tilespmem:s3+$0xFFFFFFF0] =	vst v0  }
0xa2: {  	v0 =	vld [tilespmem:s20+$0xFFFFFFC0];
	p1 =	slt.u32 s19, $0x1EA0;
	[tilespmem:s3+$0x0] =	vst v1  }
0xa3: {  	v1 =	vld [tilespmem:s20+$0xFFFFFFD0];
	[tilespmem:s3+$0x10] =	vst v2  }
0xa4: {  	v2 =	vld [tilespmem:s20+$0xFFFFFFE0];
	[tilespmem:s3+$0x20] =	vst v4  }
0xa5: {  	v4 =	vld [tilespmem:s20+$0xFFFFFFF0];
	[tilespmem:s3+$0xFFFFFFB0] =	vst v3  }
0xa6: {  	v3 =	vld [tilespmem:s20+$0x0];
	[tilespmem:s3+$0x30] =	vst v5  }
0xa7: {  	v5 =	vld [tilespmem:s20+$0x10]  }
0xa8: {  	v7 =	vld [tilespmem:s20+$0x20]  }
0xa9: {  	v6 =	vld.idx.msk [tilespmem:v6+s28+$0x0], $0xffff  }
0xaa: {  	v8 =	vld [tilespmem:s20+$0x30]  }
0xab: {  	v9 =	vld [tilespmem:s20+$0xFFFFFFB0]  }
0xac: {  	v10 =	vld.idx.msk [tilespmem:v0+s28+$0x0], $0xffff  }
0xad: {  	v11 =	vld.idx.msk [tilespmem:v1+s28+$0x0], $0xffff  }
0xae: {  	s3 =	sadd.s32 $0xA0, s3;
	v12 =	vld.idx.msk [tilespmem:v2+s28+$0x0], $0xffff  }
0xaf: {  	v0 =	vld.idx.msk [tilespmem:v4+s28+$0x0], $0xffff;
	[tilespmem:s3+$0x40] =	vst v6  }
.Ltmp4:
0xb0: {  	v1 =	vld.idx.msk [tilespmem:v3+s28+$0x0], $0xffff;
	(pc) =	sbr.rel @p1 .LBB2_6-.Ltmp4, $4  }
0xb1: {  	v2 =	vld.idx.msk [tilespmem:v5+s28+$0x0], $0xffff  }
0xb2: {  	[tilespmem:s3+$0xFFFFFFC0] =	vst v10;
	v4 =	vld.idx.msk [tilespmem:v7+s28+$0x0], $0xffff  }
0xb3: {  	v3 =	vld.idx.msk [tilespmem:v9+s28+$0x0], $0xffff;
	[tilespmem:s3+$0xFFFFFFD0] =	vst v11  }
0xb4: {  	s20 =	sadd.s32 $0xA0, s20;
	[tilespmem:s3+$0xFFFFFFE0] =	vst v12;
	v5 =	vld.idx.msk [tilespmem:v8+s28+$0x0], $0xffff  }
0xb5: {  	[tilespmem:s3+$0xFFFFFFF0] =	vst v0  }
0xb6: {  	[tilespmem:s3+$0x0] =	vst v1  }
0xb7: {  	[tilespmem:s3+$0x10] =	vst v2  }
0xb8: {  	[tilespmem:s3+$0x20] =	vst v4  }
0xb9: {  	[tilespmem:s3+$0xFFFFFFB0] =	vst v3  }
0xba: {  	[tilespmem:s3+$0x30] =	vst v5  }
0xbb: {  	[hbm4b:s9+s4] =	stream.linear.scatter [tilespmem:s31], [sflag:$0x4], $0x1F40, $0x38;
	[tilespmem:$0xFEF8] =	vst v63  }
0xbc: {  	_ = 	snop  }
0xbd: {  	[tilespmem:s25], [sflag:$0x2] =	stream.linear.gather [hbm4b:s10+s4], $0x1F40, $0x38;
	[tilespmem:$0xFEF8] =	vst v63  }
0xbe: {  	_ =	swait.ge [sflag:s26], $0x1F40  }
0xbf: {  	[sflag:s26] =	ssyncset.done $0x0  }
0xc0: {  	[sflag:s26] =	ssyncadd.s32 $0xFFFFE0C0  }
0xc1: {  	_ =	swait.ge [sflag:s2], $0x1F40  }
0xc2: {  	[sflag:s2] =	ssyncset.done $0x0  }
0xc3: {  	s20 =	simm.s32 $0x8248;
	[sflag:s2] =	ssyncadd.s32 $0xFFFFE0C0  }
0xc4: {  	v0 =	vld [tilespmem:s20+$0x40]  }
0xc5: {  	v1 =	vld [tilespmem:s20+$0xFFFFFFC0]  }
0xc6: {  	v2 =	vld [tilespmem:s20+$0xFFFFFFD0]  }
0xc7: {  	v3 =	vld [tilespmem:s20+$0xFFFFFFE0]  }
0xc8: {  	v4 =	vld [tilespmem:s20+$0xFFFFFFF0]  }
0xc9: {  	v5 =	vld [tilespmem:s20+$0x0]  }
0xca: {  	v6 =	vld [tilespmem:s20+$0x10]  }
0xcb: {  	v7 =	vld [tilespmem:s20+$0x20]  }
0xcc: {  	v9 =	vld [tilespmem:s20+$0x30]  }
0xcd: {  	v10 =	vld [tilespmem:s20+$0xFFFFFFB0]  }
0xce: {  	v8 =	vld.idx.msk [tilespmem:v0+s28+$0x0], $0xffff  }
0xcf: {  	v11 =	vld.idx.msk [tilespmem:v1+s28+$0x0], $0xffff  }
0xd0: {  	v12 =	vld.idx.msk [tilespmem:v2+s28+$0x0], $0xffff  }
0xd1: {  	v13 =	vld.idx.msk [tilespmem:v3+s28+$0x0], $0xffff  }
0xd2: {  	v0 =	vld.idx.msk [tilespmem:v4+s28+$0x0], $0xffff  }
0xd3: {  	s3 =	simm.s32 $0xC0C8;
	v1 =	vld.idx.msk [tilespmem:v5+s28+$0x0], $0xffff  }
0xd4: {  	v2 =	vld.idx.msk [tilespmem:v6+s28+$0x0], $0xffff;
	[tilespmem:s3+$0x40] =	vst v8  }
0xd5: {  	v4 =	vld.idx.msk [tilespmem:v7+s28+$0x0], $0xffff;
	[tilespmem:s3+$0xFFFFFFC0] =	vst v11  }
0xd6: {  	v3 =	vld.idx.msk [tilespmem:v10+s28+$0x0], $0xffff;
	[tilespmem:s3+$0xFFFFFFD0] =	vst v12  }
0xd7: {  	s19 =	simm.s32 $0x0;
	s20 =	simm.s32 $0x82E8;
	v5 =	vld.idx.msk [tilespmem:v9+s28+$0x0], $0xffff;
	[tilespmem:s3+$0xFFFFFFE0] =	vst v13  }
.LBB2_8:
0xd8: {  	v6 =	vld [tilespmem:s20+$0x40];
	s19 =	sadd.s32 $0xA0, s19;
	[tilespmem:s3+$0xFFFFFFF0] =	vst v0  }
0xd9: {  	v0 =	vld [tilespmem:s20+$0xFFFFFFC0];
	p1 =	slt.u32 s19, $0x1EA0;
	[tilespmem:s3+$0x0] =	vst v1  }
0xda: {  	v1 =	vld [tilespmem:s20+$0xFFFFFFD0];
	[tilespmem:s3+$0x10] =	vst v2  }
0xdb: {  	v2 =	vld [tilespmem:s20+$0xFFFFFFE0];
	[tilespmem:s3+$0x20] =	vst v4  }
0xdc: {  	v4 =	vld [tilespmem:s20+$0xFFFFFFF0];
	[tilespmem:s3+$0xFFFFFFB0] =	vst v3  }
0xdd: {  	v3 =	vld [tilespmem:s20+$0x0];
	[tilespmem:s3+$0x30] =	vst v5  }
0xde: {  	v5 =	vld [tilespmem:s20+$0x10]  }
0xdf: {  	v7 =	vld [tilespmem:s20+$0x20]  }
0xe0: {  	v6 =	vld.idx.msk [tilespmem:v6+s28+$0x0], $0xffff  }
0xe1: {  	v8 =	vld [tilespmem:s20+$0x30]  }
0xe2: {  	v9 =	vld [tilespmem:s20+$0xFFFFFFB0]  }
0xe3: {  	v10 =	vld.idx.msk [tilespmem:v0+s28+$0x0], $0xffff  }
0xe4: {  	v11 =	vld.idx.msk [tilespmem:v1+s28+$0x0], $0xffff  }
0xe5: {  	s3 =	sadd.s32 $0xA0, s3;
	v12 =	vld.idx.msk [tilespmem:v2+s28+$0x0], $0xffff  }
0xe6: {  	v0 =	vld.idx.msk [tilespmem:v4+s28+$0x0], $0xffff;
	[tilespmem:s3+$0x40] =	vst v6  }
.Ltmp5:
0xe7: {  	v1 =	vld.idx.msk [tilespmem:v3+s28+$0x0], $0xffff;
	(pc) =	sbr.rel @p1 .LBB2_8-.Ltmp5, $4  }
0xe8: {  	v2 =	vld.idx.msk [tilespmem:v5+s28+$0x0], $0xffff  }
0xe9: {  	[tilespmem:s3+$0xFFFFFFC0] =	vst v10;
	v4 =	vld.idx.msk [tilespmem:v7+s28+$0x0], $0xffff  }
0xea: {  	v3 =	vld.idx.msk [tilespmem:v9+s28+$0x0], $0xffff;
	[tilespmem:s3+$0xFFFFFFD0] =	vst v11  }
0xeb: {  	s20 =	sadd.s32 $0xA0, s20;
	[tilespmem:s3+$0xFFFFFFE0] =	vst v12;
	v5 =	vld.idx.msk [tilespmem:v8+s28+$0x0], $0xffff  }
0xec: {  	[tilespmem:s3+$0xFFFFFFF0] =	vst v0  }
0xed: {  	[tilespmem:s3+$0x0] =	vst v1  }
0xee: {  	[tilespmem:s3+$0x10] =	vst v2  }
0xef: {  	[tilespmem:s3+$0x20] =	vst v4  }
0xf0: {  	[tilespmem:s3+$0xFFFFFFB0] =	vst v3  }
0xf1: {  	[tilespmem:s3+$0x30] =	vst v5  }
0xf2: {  	[hbm4b:s11+s4] =	stream.linear.scatter [tilespmem:s29], [sflag:$0x3], $0x1F40, $0x38;
	[tilespmem:$0xFEF8] =	vst v63  }
0xf3: {  	_ = 	snop  }
0xf4: {  	[tilespmem:s22], [sflag:$0x1] =	stream.linear.gather [hbm4b:s12+s4], $0x1F40, $0x38;
	[tilespmem:$0xFEF8] =	vst v63  }
0xf5: {  	_ =	swait.ge [sflag:s30], $0x1F40  }
0xf6: {  	[sflag:s30] =	ssyncset.done $0x0  }
0xf7: {  	[sflag:s30] =	ssyncadd.s32 $0xFFFFE0C0  }
0xf8: {  	_ =	swait.ge [sflag:s0], $0x1F40  }
0xf9: {  	[sflag:s0] =	ssyncset.done $0x0  }
0xfa: {  	s20 =	simm.s32 $0xA188;
	[sflag:s0] =	ssyncadd.s32 $0xFFFFE0C0  }
0xfb: {  	v0 =	vld [tilespmem:s20+$0x40]  }
0xfc: {  	v1 =	vld [tilespmem:s20+$0xFFFFFFC0]  }
0xfd: {  	v2 =	vld [tilespmem:s20+$0xFFFFFFD0]  }
0xfe: {  	v3 =	vld [tilespmem:s20+$0xFFFFFFE0]  }
0xff: {  	v4 =	vld [tilespmem:s20+$0xFFFFFFF0]  }
0x100: {  	v5 =	vld [tilespmem:s20+$0x0]  }
0x101: {  	v6 =	vld [tilespmem:s20+$0x10]  }
0x102: {  	v7 =	vld [tilespmem:s20+$0x20]  }
0x103: {  	v9 =	vld [tilespmem:s20+$0x30]  }
0x104: {  	v10 =	vld [tilespmem:s20+$0xFFFFFFB0]  }
0x105: {  	v8 =	vld.idx.msk [tilespmem:v0+s28+$0x0], $0xffff  }
0x106: {  	v11 =	vld.idx.msk [tilespmem:v1+s28+$0x0], $0xffff  }
0x107: {  	v12 =	vld.idx.msk [tilespmem:v2+s28+$0x0], $0xffff  }
0x108: {  	v13 =	vld.idx.msk [tilespmem:v3+s28+$0x0], $0xffff  }
0x109: {  	v0 =	vld.idx.msk [tilespmem:v4+s28+$0x0], $0xffff  }
0x10a: {  	s3 =	simm.s32 $0xE008;
	v1 =	vld.idx.msk [tilespmem:v5+s28+$0x0], $0xffff  }
0x10b: {  	v2 =	vld.idx.msk [tilespmem:v6+s28+$0x0], $0xffff;
	[tilespmem:s3+$0x40] =	vst v8  }
0x10c: {  	v4 =	vld.idx.msk [tilespmem:v7+s28+$0x0], $0xffff;
	[tilespmem:s3+$0xFFFFFFC0] =	vst v11  }
0x10d: {  	v3 =	vld.idx.msk [tilespmem:v10+s28+$0x0], $0xffff;
	[tilespmem:s3+$0xFFFFFFD0] =	vst v12  }
0x10e: {  	s19 =	simm.s32 $0x0;
	s20 =	simm.s32 $0xA228;
	v5 =	vld.idx.msk [tilespmem:v9+s28+$0x0], $0xffff;
	[tilespmem:s3+$0xFFFFFFE0] =	vst v13  }
.LBB2_10:
0x10f: {  	v6 =	vld [tilespmem:s20+$0x40];
	s19 =	sadd.s32 $0xA0, s19;
	[tilespmem:s3+$0xFFFFFFF0] =	vst v0  }
0x110: {  	v0 =	vld [tilespmem:s20+$0xFFFFFFC0];
	p1 =	slt.u32 s19, $0x1EA0;
	[tilespmem:s3+$0x0] =	vst v1  }
0x111: {  	v1 =	vld [tilespmem:s20+$0xFFFFFFD0];
	[tilespmem:s3+$0x10] =	vst v2  }
0x112: {  	v2 =	vld [tilespmem:s20+$0xFFFFFFE0];
	[tilespmem:s3+$0x20] =	vst v4  }
0x113: {  	v4 =	vld [tilespmem:s20+$0xFFFFFFF0];
	[tilespmem:s3+$0xFFFFFFB0] =	vst v3  }
0x114: {  	v3 =	vld [tilespmem:s20+$0x0];
	[tilespmem:s3+$0x30] =	vst v5  }
0x115: {  	v5 =	vld [tilespmem:s20+$0x10]  }
0x116: {  	v7 =	vld [tilespmem:s20+$0x20]  }
0x117: {  	v6 =	vld.idx.msk [tilespmem:v6+s28+$0x0], $0xffff  }
0x118: {  	v8 =	vld [tilespmem:s20+$0x30]  }
0x119: {  	v9 =	vld [tilespmem:s20+$0xFFFFFFB0]  }
0x11a: {  	v10 =	vld.idx.msk [tilespmem:v0+s28+$0x0], $0xffff  }
0x11b: {  	v11 =	vld.idx.msk [tilespmem:v1+s28+$0x0], $0xffff  }
0x11c: {  	s3 =	sadd.s32 $0xA0, s3;
	v12 =	vld.idx.msk [tilespmem:v2+s28+$0x0], $0xffff  }
0x11d: {  	v0 =	vld.idx.msk [tilespmem:v4+s28+$0x0], $0xffff;
	[tilespmem:s3+$0x40] =	vst v6  }
.Ltmp6:
0x11e: {  	v1 =	vld.idx.msk [tilespmem:v3+s28+$0x0], $0xffff;
	(pc) =	sbr.rel @p1 .LBB2_10-.Ltmp6, $4  }
0x11f: {  	v2 =	vld.idx.msk [tilespmem:v5+s28+$0x0], $0xffff  }
0x120: {  	[tilespmem:s3+$0xFFFFFFC0] =	vst v10;
	v4 =	vld.idx.msk [tilespmem:v7+s28+$0x0], $0xffff  }
0x121: {  	v3 =	vld.idx.msk [tilespmem:v9+s28+$0x0], $0xffff;
	[tilespmem:s3+$0xFFFFFFD0] =	vst v11  }
0x122: {  	s20 =	sadd.s32 $0xA0, s20;
	[tilespmem:s3+$0xFFFFFFE0] =	vst v12;
	v5 =	vld.idx.msk [tilespmem:v8+s28+$0x0], $0xffff  }
0x123: {  	[tilespmem:s3+$0xFFFFFFF0] =	vst v0  }
0x124: {  	[tilespmem:s3+$0x0] =	vst v1  }
0x125: {  	[tilespmem:s3+$0x10] =	vst v2  }
0x126: {  	[tilespmem:s3+$0x20] =	vst v4  }
0x127: {  	[tilespmem:s3+$0xFFFFFFB0] =	vst v3  }
0x128: {  	[tilespmem:s3+$0x30] =	vst v5  }
0x129: {  	[hbm4b:s13+s4] =	stream.linear.scatter [tilespmem:s31], [sflag:$0x4], $0x1F40, $0x38;
	[tilespmem:$0xFEF8] =	vst v63  }
0x12a: {  	_ = 	snop  }
0x12b: {  	[tilespmem:s25], [sflag:$0x2] =	stream.linear.gather [hbm4b:s14+s4], $0x1F40, $0x38;
	[tilespmem:$0xFEF8] =	vst v63  }
0x12c: {  	_ =	swait.ge [sflag:s26], $0x1F40  }
0x12d: {  	[sflag:s26] =	ssyncset.done $0x0  }
0x12e: {  	[sflag:s26] =	ssyncadd.s32 $0xFFFFE0C0  }
0x12f: {  	_ =	swait.ge [sflag:s2], $0x1F40  }
0x130: {  	[sflag:s2] =	ssyncset.done $0x0  }
0x131: {  	s20 =	simm.s32 $0x8248;
	[sflag:s2] =	ssyncadd.s32 $0xFFFFE0C0  }
0x132: {  	v0 =	vld [tilespmem:s20+$0x40]  }
0x133: {  	v1 =	vld [tilespmem:s20+$0xFFFFFFC0]  }
0x134: {  	v2 =	vld [tilespmem:s20+$0xFFFFFFD0]  }
0x135: {  	v3 =	vld [tilespmem:s20+$0xFFFFFFE0]  }
0x136: {  	v4 =	vld [tilespmem:s20+$0xFFFFFFF0]  }
0x137: {  	v5 =	vld [tilespmem:s20+$0x0]  }
0x138: {  	v6 =	vld [tilespmem:s20+$0x10]  }
0x139: {  	v7 =	vld [tilespmem:s20+$0x20]  }
0x13a: {  	v9 =	vld [tilespmem:s20+$0x30]  }
0x13b: {  	v10 =	vld [tilespmem:s20+$0xFFFFFFB0]  }
0x13c: {  	v8 =	vld.idx.msk [tilespmem:v0+s28+$0x0], $0xffff  }
0x13d: {  	v11 =	vld.idx.msk [tilespmem:v1+s28+$0x0], $0xffff  }
0x13e: {  	v12 =	vld.idx.msk [tilespmem:v2+s28+$0x0], $0xffff  }
0x13f: {  	v13 =	vld.idx.msk [tilespmem:v3+s28+$0x0], $0xffff  }
0x140: {  	v0 =	vld.idx.msk [tilespmem:v4+s28+$0x0], $0xffff  }
0x141: {  	s3 =	simm.s32 $0xC0C8;
	v1 =	vld.idx.msk [tilespmem:v5+s28+$0x0], $0xffff  }
0x142: {  	v2 =	vld.idx.msk [tilespmem:v6+s28+$0x0], $0xffff;
	[tilespmem:s3+$0x40] =	vst v8  }
0x143: {  	v4 =	vld.idx.msk [tilespmem:v7+s28+$0x0], $0xffff;
	[tilespmem:s3+$0xFFFFFFC0] =	vst v11  }
0x144: {  	v3 =	vld.idx.msk [tilespmem:v10+s28+$0x0], $0xffff;
	[tilespmem:s3+$0xFFFFFFD0] =	vst v12  }
0x145: {  	s19 =	simm.s32 $0x0;
	s20 =	simm.s32 $0x82E8;
	v5 =	vld.idx.msk [tilespmem:v9+s28+$0x0], $0xffff;
	[tilespmem:s3+$0xFFFFFFE0] =	vst v13  }
.LBB2_12:
0x146: {  	v6 =	vld [tilespmem:s20+$0x40];
	s19 =	sadd.s32 $0xA0, s19;
	[tilespmem:s3+$0xFFFFFFF0] =	vst v0  }
0x147: {  	v0 =	vld [tilespmem:s20+$0xFFFFFFC0];
	p1 =	slt.u32 s19, $0x1EA0;
	[tilespmem:s3+$0x0] =	vst v1  }
0x148: {  	v1 =	vld [tilespmem:s20+$0xFFFFFFD0];
	[tilespmem:s3+$0x10] =	vst v2  }
0x149: {  	v2 =	vld [tilespmem:s20+$0xFFFFFFE0];
	[tilespmem:s3+$0x20] =	vst v4  }
0x14a: {  	v4 =	vld [tilespmem:s20+$0xFFFFFFF0];
	[tilespmem:s3+$0xFFFFFFB0] =	vst v3  }
0x14b: {  	v3 =	vld [tilespmem:s20+$0x0];
	[tilespmem:s3+$0x30] =	vst v5  }
0x14c: {  	v5 =	vld [tilespmem:s20+$0x10]  }
0x14d: {  	v7 =	vld [tilespmem:s20+$0x20]  }
0x14e: {  	v6 =	vld.idx.msk [tilespmem:v6+s28+$0x0], $0xffff  }
0x14f: {  	v8 =	vld [tilespmem:s20+$0x30]  }
0x150: {  	v9 =	vld [tilespmem:s20+$0xFFFFFFB0]  }
0x151: {  	v10 =	vld.idx.msk [tilespmem:v0+s28+$0x0], $0xffff  }
0x152: {  	v11 =	vld.idx.msk [tilespmem:v1+s28+$0x0], $0xffff  }
0x153: {  	s3 =	sadd.s32 $0xA0, s3;
	v12 =	vld.idx.msk [tilespmem:v2+s28+$0x0], $0xffff  }
0x154: {  	v0 =	vld.idx.msk [tilespmem:v4+s28+$0x0], $0xffff;
	[tilespmem:s3+$0x40] =	vst v6  }
.Ltmp7:
0x155: {  	v1 =	vld.idx.msk [tilespmem:v3+s28+$0x0], $0xffff;
	(pc) =	sbr.rel @p1 .LBB2_12-.Ltmp7, $4  }
0x156: {  	v2 =	vld.idx.msk [tilespmem:v5+s28+$0x0], $0xffff  }
0x157: {  	[tilespmem:s3+$0xFFFFFFC0] =	vst v10;
	v4 =	vld.idx.msk [tilespmem:v7+s28+$0x0], $0xffff  }
0x158: {  	v3 =	vld.idx.msk [tilespmem:v9+s28+$0x0], $0xffff;
	[tilespmem:s3+$0xFFFFFFD0] =	vst v11  }
0x159: {  	s20 =	sadd.s32 $0xA0, s20;
	[tilespmem:s3+$0xFFFFFFE0] =	vst v12;
	v5 =	vld.idx.msk [tilespmem:v8+s28+$0x0], $0xffff  }
0x15a: {  	[tilespmem:s3+$0xFFFFFFF0] =	vst v0  }
0x15b: {  	[tilespmem:s3+$0x0] =	vst v1  }
0x15c: {  	[tilespmem:s3+$0x10] =	vst v2  }
0x15d: {  	[tilespmem:s3+$0x20] =	vst v4  }
0x15e: {  	[tilespmem:s3+$0xFFFFFFB0] =	vst v3  }
0x15f: {  	[tilespmem:s3+$0x30] =	vst v5  }
0x160: {  	[hbm4b:s15+s4] =	stream.linear.scatter [tilespmem:s29], [sflag:$0x3], $0x1F40, $0x38;
	[tilespmem:$0xFEF8] =	vst v63  }
0x161: {  	_ = 	snop  }
0x162: {  	[tilespmem:s22], [sflag:$0x1] =	stream.linear.gather [hbm4b:s16+s4], $0x1F40, $0x38;
	[tilespmem:$0xFEF8] =	vst v63  }
0x163: {  	_ =	swait.ge [sflag:s30], $0x1F40  }
0x164: {  	[sflag:s30] =	ssyncset.done $0x0  }
0x165: {  	[sflag:s30] =	ssyncadd.s32 $0xFFFFE0C0  }
0x166: {  	_ =	swait.ge [sflag:s0], $0x1F40  }
0x167: {  	[sflag:s0] =	ssyncset.done $0x0  }
0x168: {  	s20 =	simm.s32 $0xA188;
	[sflag:s0] =	ssyncadd.s32 $0xFFFFE0C0  }
0x169: {  	v0 =	vld [tilespmem:s20+$0x40]  }
0x16a: {  	v1 =	vld [tilespmem:s20+$0xFFFFFFC0]  }
0x16b: {  	v2 =	vld [tilespmem:s20+$0xFFFFFFD0]  }
0x16c: {  	v3 =	vld [tilespmem:s20+$0xFFFFFFE0]  }
0x16d: {  	v4 =	vld [tilespmem:s20+$0xFFFFFFF0]  }
0x16e: {  	v5 =	vld [tilespmem:s20+$0x0]  }
0x16f: {  	v6 =	vld [tilespmem:s20+$0x10]  }
0x170: {  	v7 =	vld [tilespmem:s20+$0x20]  }
0x171: {  	v9 =	vld [tilespmem:s20+$0x30]  }
0x172: {  	v10 =	vld [tilespmem:s20+$0xFFFFFFB0]  }
0x173: {  	v8 =	vld.idx.msk [tilespmem:v0+s28+$0x0], $0xffff  }
0x174: {  	v11 =	vld.idx.msk [tilespmem:v1+s28+$0x0], $0xffff  }
0x175: {  	v12 =	vld.idx.msk [tilespmem:v2+s28+$0x0], $0xffff  }
0x176: {  	v13 =	vld.idx.msk [tilespmem:v3+s28+$0x0], $0xffff  }
0x177: {  	v0 =	vld.idx.msk [tilespmem:v4+s28+$0x0], $0xffff  }
0x178: {  	s3 =	simm.s32 $0xE008;
	v1 =	vld.idx.msk [tilespmem:v5+s28+$0x0], $0xffff  }
0x179: {  	v2 =	vld.idx.msk [tilespmem:v6+s28+$0x0], $0xffff;
	[tilespmem:s3+$0x40] =	vst v8  }
0x17a: {  	v4 =	vld.idx.msk [tilespmem:v7+s28+$0x0], $0xffff;
	[tilespmem:s3+$0xFFFFFFC0] =	vst v11  }
0x17b: {  	v3 =	vld.idx.msk [tilespmem:v10+s28+$0x0], $0xffff;
	[tilespmem:s3+$0xFFFFFFD0] =	vst v12  }
0x17c: {  	s19 =	simm.s32 $0x0;
	s20 =	simm.s32 $0xA228;
	v5 =	vld.idx.msk [tilespmem:v9+s28+$0x0], $0xffff;
	[tilespmem:s3+$0xFFFFFFE0] =	vst v13  }
.LBB2_14:
0x17d: {  	v6 =	vld [tilespmem:s20+$0x40];
	s19 =	sadd.s32 $0xA0, s19;
	[tilespmem:s3+$0xFFFFFFF0] =	vst v0  }
0x17e: {  	v0 =	vld [tilespmem:s20+$0xFFFFFFC0];
	p1 =	slt.u32 s19, $0x1EA0;
	[tilespmem:s3+$0x0] =	vst v1  }
0x17f: {  	v1 =	vld [tilespmem:s20+$0xFFFFFFD0];
	[tilespmem:s3+$0x10] =	vst v2  }
0x180: {  	v2 =	vld [tilespmem:s20+$0xFFFFFFE0];
	[tilespmem:s3+$0x20] =	vst v4  }
0x181: {  	v4 =	vld [tilespmem:s20+$0xFFFFFFF0];
	[tilespmem:s3+$0xFFFFFFB0] =	vst v3  }
0x182: {  	v3 =	vld [tilespmem:s20+$0x0];
	[tilespmem:s3+$0x30] =	vst v5  }
0x183: {  	v5 =	vld [tilespmem:s20+$0x10]  }
0x184: {  	v7 =	vld [tilespmem:s20+$0x20]  }
0x185: {  	v6 =	vld.idx.msk [tilespmem:v6+s28+$0x0], $0xffff  }
0x186: {  	v8 =	vld [tilespmem:s20+$0x30]  }
0x187: {  	v9 =	vld [tilespmem:s20+$0xFFFFFFB0]  }
0x188: {  	v10 =	vld.idx.msk [tilespmem:v0+s28+$0x0], $0xffff  }
0x189: {  	v11 =	vld.idx.msk [tilespmem:v1+s28+$0x0], $0xffff  }
0x18a: {  	s3 =	sadd.s32 $0xA0, s3;
	v12 =	vld.idx.msk [tilespmem:v2+s28+$0x0], $0xffff  }
0x18b: {  	v0 =	vld.idx.msk [tilespmem:v4+s28+$0x0], $0xffff;
	[tilespmem:s3+$0x40] =	vst v6  }
.Ltmp8:
0x18c: {  	v1 =	vld.idx.msk [tilespmem:v3+s28+$0x0], $0xffff;
	(pc) =	sbr.rel @p1 .LBB2_14-.Ltmp8, $4  }
0x18d: {  	v2 =	vld.idx.msk [tilespmem:v5+s28+$0x0], $0xffff  }
0x18e: {  	[tilespmem:s3+$0xFFFFFFC0] =	vst v10;
	v4 =	vld.idx.msk [tilespmem:v7+s28+$0x0], $0xffff  }
0x18f: {  	v3 =	vld.idx.msk [tilespmem:v9+s28+$0x0], $0xffff;
	[tilespmem:s3+$0xFFFFFFD0] =	vst v11  }
0x190: {  	s20 =	sadd.s32 $0xA0, s20;
	[tilespmem:s3+$0xFFFFFFE0] =	vst v12;
	v5 =	vld.idx.msk [tilespmem:v8+s28+$0x0], $0xffff  }
0x191: {  	[tilespmem:s3+$0xFFFFFFF0] =	vst v0  }
0x192: {  	[tilespmem:s3+$0x0] =	vst v1  }
0x193: {  	[tilespmem:s3+$0x10] =	vst v2  }
0x194: {  	[tilespmem:s3+$0x20] =	vst v4  }
0x195: {  	[tilespmem:s3+$0xFFFFFFB0] =	vst v3  }
0x196: {  	[tilespmem:s3+$0x30] =	vst v5  }
0x197: {  	[hbm4b:s17+s4] =	stream.linear.scatter [tilespmem:s31], [sflag:$0x4], $0x1F40, $0x38;
	[tilespmem:$0xFEF8] =	vst v63  }
0x198: {  	_ =	swait.ge [sflag:s26], $0x1F40  }
0x199: {  	[sflag:s26] =	ssyncset.done $0x0  }
0x19a: {  	[sflag:s26] =	ssyncadd.s32 $0xFFFFE0C0  }
0x19b: {  	_ =	swait.ge [sflag:s2], $0x1F40  }
0x19c: {  	[sflag:s2] =	ssyncset.done $0x0  }
0x19d: {  	s20 =	simm.s32 $0x8248;
	[sflag:s2] =	ssyncadd.s32 $0xFFFFE0C0  }
0x19e: {  	v0 =	vld [tilespmem:s20+$0x40]  }
0x19f: {  	v1 =	vld [tilespmem:s20+$0xFFFFFFC0]  }
0x1a0: {  	v2 =	vld [tilespmem:s20+$0xFFFFFFD0]  }
0x1a1: {  	v3 =	vld [tilespmem:s20+$0xFFFFFFE0]  }
0x1a2: {  	v4 =	vld [tilespmem:s20+$0xFFFFFFF0]  }
0x1a3: {  	v5 =	vld [tilespmem:s20+$0x0]  }
0x1a4: {  	v6 =	vld [tilespmem:s20+$0x10]  }
0x1a5: {  	v7 =	vld [tilespmem:s20+$0x20]  }
0x1a6: {  	v9 =	vld [tilespmem:s20+$0x30]  }
0x1a7: {  	v10 =	vld [tilespmem:s20+$0xFFFFFFB0]  }
0x1a8: {  	v8 =	vld.idx.msk [tilespmem:v0+s28+$0x0], $0xffff  }
0x1a9: {  	v11 =	vld.idx.msk [tilespmem:v1+s28+$0x0], $0xffff  }
0x1aa: {  	v12 =	vld.idx.msk [tilespmem:v2+s28+$0x0], $0xffff  }
0x1ab: {  	v13 =	vld.idx.msk [tilespmem:v3+s28+$0x0], $0xffff  }
0x1ac: {  	v0 =	vld.idx.msk [tilespmem:v4+s28+$0x0], $0xffff  }
0x1ad: {  	s3 =	simm.s32 $0xC0C8;
	v1 =	vld.idx.msk [tilespmem:v5+s28+$0x0], $0xffff  }
0x1ae: {  	v2 =	vld.idx.msk [tilespmem:v6+s28+$0x0], $0xffff;
	[tilespmem:s3+$0x40] =	vst v8  }
0x1af: {  	v4 =	vld.idx.msk [tilespmem:v7+s28+$0x0], $0xffff;
	[tilespmem:s3+$0xFFFFFFC0] =	vst v11  }
0x1b0: {  	v3 =	vld.idx.msk [tilespmem:v10+s28+$0x0], $0xffff;
	[tilespmem:s3+$0xFFFFFFD0] =	vst v12  }
0x1b1: {  	s19 =	simm.s32 $0x0;
	s20 =	simm.s32 $0x82E8;
	v5 =	vld.idx.msk [tilespmem:v9+s28+$0x0], $0xffff;
	[tilespmem:s3+$0xFFFFFFE0] =	vst v13  }
.LBB2_16:
0x1b2: {  	v6 =	vld [tilespmem:s20+$0x40];
	s19 =	sadd.s32 $0xA0, s19;
	[tilespmem:s3+$0xFFFFFFF0] =	vst v0  }
0x1b3: {  	v0 =	vld [tilespmem:s20+$0xFFFFFFC0];
	p1 =	slt.u32 s19, $0x1EA0;
	[tilespmem:s3+$0x0] =	vst v1  }
0x1b4: {  	v1 =	vld [tilespmem:s20+$0xFFFFFFD0];
	[tilespmem:s3+$0x10] =	vst v2  }
0x1b5: {  	v2 =	vld [tilespmem:s20+$0xFFFFFFE0];
	[tilespmem:s3+$0x20] =	vst v4  }
0x1b6: {  	v4 =	vld [tilespmem:s20+$0xFFFFFFF0];
	[tilespmem:s3+$0xFFFFFFB0] =	vst v3  }
0x1b7: {  	v3 =	vld [tilespmem:s20+$0x0];
	[tilespmem:s3+$0x30] =	vst v5  }
0x1b8: {  	v5 =	vld [tilespmem:s20+$0x10]  }
0x1b9: {  	v7 =	vld [tilespmem:s20+$0x20]  }
0x1ba: {  	v6 =	vld.idx.msk [tilespmem:v6+s28+$0x0], $0xffff  }
0x1bb: {  	v8 =	vld [tilespmem:s20+$0x30]  }
0x1bc: {  	v9 =	vld [tilespmem:s20+$0xFFFFFFB0]  }
0x1bd: {  	v10 =	vld.idx.msk [tilespmem:v0+s28+$0x0], $0xffff  }
0x1be: {  	v11 =	vld.idx.msk [tilespmem:v1+s28+$0x0], $0xffff  }
0x1bf: {  	s3 =	sadd.s32 $0xA0, s3;
	v12 =	vld.idx.msk [tilespmem:v2+s28+$0x0], $0xffff  }
0x1c0: {  	v0 =	vld.idx.msk [tilespmem:v4+s28+$0x0], $0xffff;
	[tilespmem:s3+$0x40] =	vst v6  }
.Ltmp9:
0x1c1: {  	v1 =	vld.idx.msk [tilespmem:v3+s28+$0x0], $0xffff;
	(pc) =	sbr.rel @p1 .LBB2_16-.Ltmp9, $4  }
0x1c2: {  	v2 =	vld.idx.msk [tilespmem:v5+s28+$0x0], $0xffff  }
0x1c3: {  	[tilespmem:s3+$0xFFFFFFC0] =	vst v10;
	v4 =	vld.idx.msk [tilespmem:v7+s28+$0x0], $0xffff  }
0x1c4: {  	v3 =	vld.idx.msk [tilespmem:v9+s28+$0x0], $0xffff;
	[tilespmem:s3+$0xFFFFFFD0] =	vst v11  }
0x1c5: {  	s20 =	sadd.s32 $0xA0, s20;
	[tilespmem:s3+$0xFFFFFFE0] =	vst v12;
	v5 =	vld.idx.msk [tilespmem:v8+s28+$0x0], $0xffff  }
0x1c6: {  	[tilespmem:s3+$0xFFFFFFF0] =	vst v0  }
0x1c7: {  	[tilespmem:s3+$0x0] =	vst v1  }
0x1c8: {  	[tilespmem:s3+$0x10] =	vst v2  }
0x1c9: {  	[tilespmem:s3+$0x20] =	vst v4  }
0x1ca: {  	[tilespmem:s3+$0xFFFFFFB0] =	vst v3  }
0x1cb: {  	[tilespmem:s3+$0x30] =	vst v5  }
0x1cc: {  	[hbm4b:s18+s4] =	stream.linear.scatter [tilespmem:s29], [sflag:$0x3], $0x1F40, $0x38;
	[tilespmem:$0xFEF8] =	vst v63  }
0x1cd: {  	_ =	swait.ge [sflag:s0], $0x1F40  }
.Ltmp10:
0x1ce: {  	[sflag:s0] =	ssyncset.done $0x0;
	(pc) =	sbr.rel @p0 .LBB2_21-.Ltmp10, $4  }
0x1cf: {  	[sflag:s0] =	ssyncadd.s32 $0xFFFFE0C0  }
0x1d0: {  	_ =	swait.ge [sflag:s2], $0x1F40  }
0x1d1: {  	[sflag:s2] =	ssyncset.done $0x0  }
0x1d2: {  	[sflag:s2] =	ssyncadd.s32 $0xFFFFE0C0  }
0x1d3: {  	s3 =	rddreg [dreg:$0x5]  }
0x1d4: {  	[tilespmem:s22], [sflag:$0x5] =	stream.linear.gather [hbm4b:s3+s4], $0x1F40, $0x38;
	[tilespmem:$0xFEF8] =	vst v63  }
0x1d5: {  	_ =	swait.ge [sflag:s23], $0x1F40  }
0x1d6: {  	[sflag:s23] =	ssyncset.done $0x0  }
0x1d7: {  	s20 =	simm.s32 $0x8248;
	[sflag:s23] =	ssyncadd.s32 $0xFFFFE0C0  }
0x1d8: {  	v0 =	vld [tilespmem:s20+$0x40]  }
0x1d9: {  	v1 =	vld [tilespmem:s20+$0xFFFFFFC0]  }
0x1da: {  	v2 =	vld [tilespmem:s20+$0xFFFFFFD0]  }
0x1db: {  	v3 =	vld [tilespmem:s20+$0xFFFFFFE0]  }
0x1dc: {  	v4 =	vld [tilespmem:s20+$0xFFFFFFF0]  }
0x1dd: {  	v5 =	vld [tilespmem:s20+$0x0]  }
0x1de: {  	v6 =	vld [tilespmem:s20+$0x10]  }
0x1df: {  	v7 =	vld [tilespmem:s20+$0x20]  }
0x1e0: {  	v9 =	vld [tilespmem:s20+$0x30]  }
0x1e1: {  	v10 =	vld [tilespmem:s20+$0xFFFFFFB0]  }
0x1e2: {  	v8 =	vld.idx.msk [tilespmem:v0+s28+$0x0], $0xffff  }
0x1e3: {  	v11 =	vld.idx.msk [tilespmem:v1+s28+$0x0], $0xffff  }
0x1e4: {  	v12 =	vld.idx.msk [tilespmem:v2+s28+$0x0], $0xffff  }
0x1e5: {  	v13 =	vld.idx.msk [tilespmem:v3+s28+$0x0], $0xffff  }
0x1e6: {  	v0 =	vld.idx.msk [tilespmem:v4+s28+$0x0], $0xffff  }
0x1e7: {  	s3 =	simm.s32 $0xC0C8;
	v1 =	vld.idx.msk [tilespmem:v5+s28+$0x0], $0xffff  }
0x1e8: {  	v2 =	vld.idx.msk [tilespmem:v6+s28+$0x0], $0xffff;
	[tilespmem:s3+$0x40] =	vst v8  }
0x1e9: {  	v4 =	vld.idx.msk [tilespmem:v7+s28+$0x0], $0xffff;
	[tilespmem:s3+$0xFFFFFFC0] =	vst v11  }
0x1ea: {  	v3 =	vld.idx.msk [tilespmem:v10+s28+$0x0], $0xffff;
	[tilespmem:s3+$0xFFFFFFD0] =	vst v12  }
0x1eb: {  	s19 =	simm.s32 $0x0;
	s20 =	simm.s32 $0x82E8;
	v5 =	vld.idx.msk [tilespmem:v9+s28+$0x0], $0xffff;
	[tilespmem:s3+$0xFFFFFFE0] =	vst v13  }
.LBB2_19:
0x1ec: {  	v6 =	vld [tilespmem:s20+$0x40];
	s19 =	sadd.s32 $0xA0, s19;
	[tilespmem:s3+$0xFFFFFFF0] =	vst v0  }
0x1ed: {  	v0 =	vld [tilespmem:s20+$0xFFFFFFC0];
	p1 =	slt.u32 s19, $0x1EA0;
	[tilespmem:s3+$0x0] =	vst v1  }
0x1ee: {  	v1 =	vld [tilespmem:s20+$0xFFFFFFD0];
	[tilespmem:s3+$0x10] =	vst v2  }
0x1ef: {  	v2 =	vld [tilespmem:s20+$0xFFFFFFE0];
	[tilespmem:s3+$0x20] =	vst v4  }
0x1f0: {  	v4 =	vld [tilespmem:s20+$0xFFFFFFF0];
	[tilespmem:s3+$0xFFFFFFB0] =	vst v3  }
0x1f1: {  	v3 =	vld [tilespmem:s20+$0x0];
	[tilespmem:s3+$0x30] =	vst v5  }
0x1f2: {  	v5 =	vld [tilespmem:s20+$0x10]  }
0x1f3: {  	v7 =	vld [tilespmem:s20+$0x20]  }
0x1f4: {  	v6 =	vld.idx.msk [tilespmem:v6+s28+$0x0], $0xffff  }
0x1f5: {  	v8 =	vld [tilespmem:s20+$0x30]  }
0x1f6: {  	v9 =	vld [tilespmem:s20+$0xFFFFFFB0]  }
0x1f7: {  	v10 =	vld.idx.msk [tilespmem:v0+s28+$0x0], $0xffff  }
0x1f8: {  	v11 =	vld.idx.msk [tilespmem:v1+s28+$0x0], $0xffff  }
0x1f9: {  	s3 =	sadd.s32 $0xA0, s3;
	v12 =	vld.idx.msk [tilespmem:v2+s28+$0x0], $0xffff  }
0x1fa: {  	v0 =	vld.idx.msk [tilespmem:v4+s28+$0x0], $0xffff;
	[tilespmem:s3+$0x40] =	vst v6  }
.Ltmp11:
0x1fb: {  	v1 =	vld.idx.msk [tilespmem:v3+s28+$0x0], $0xffff;
	(pc) =	sbr.rel @p1 .LBB2_19-.Ltmp11, $4  }
0x1fc: {  	v2 =	vld.idx.msk [tilespmem:v5+s28+$0x0], $0xffff  }
0x1fd: {  	[tilespmem:s3+$0xFFFFFFC0] =	vst v10;
	v4 =	vld.idx.msk [tilespmem:v7+s28+$0x0], $0xffff  }
0x1fe: {  	v3 =	vld.idx.msk [tilespmem:v9+s28+$0x0], $0xffff;
	[tilespmem:s3+$0xFFFFFFD0] =	vst v11  }
0x1ff: {  	s20 =	sadd.s32 $0xA0, s20;
	[tilespmem:s3+$0xFFFFFFE0] =	vst v12;
	v5 =	vld.idx.msk [tilespmem:v8+s28+$0x0], $0xffff  }
.Ltmp12:
0x200: {  	_ = 	snop;
	(pc) =	sbr.rel .LBB2_20-.Ltmp12, $1  }
0x201: {  	_ =	sdelay $0x3  }
.LBB2_22:
0x202: {  	_ =	sfence.sel $0x180000  }
0x203: {  	[bflag:$0x0] =	sbarrier.arrive $0xFFFF  }
0x204: {  	_ =	strace $0x90000047  }
0x205: {  	s0 =	stileid.u32;
	[bflag:$0x2] =	sbarrier.arrive $0xFFFF  }
0x206: {  	p0 =	sne.s32 s0, $0x0;
	s0 =	rddreg [dreg:$0x4]  }
0x207: {  	s0 =	sadd.s32 @!p0 $0x100000, s0  }
0x208: {  	[sflag:s0] =	ssyncadd.tile.s32 @!p0 $0x1;
	_ =	shalt  }
.Lfunc_end2:
_tile_overlayer_lowered:
.L_overlay_start_2:
0x209: {  	(tag) =	ssettag $0x2  }
0x20a: {  	s0 =	rddreg [dreg:$0x0];
	s2 =	stileid.u32  }
0x20b: {  	s1 =	rddreg [dreg:$0x1];
	p0 =	sne.s32 s2, $0x0  }
0x20c: {  	s3 =	rddreg [dreg:$0x2];
	[bflag:$0x3] =	sbarrier.arrive $0xFFFF;
	s2 =	simm.s32 @!p0 $0x1C05  }
0x20d: {  	[timem:s3], [sflag:s2] =	dma.local @!p0 [hbm:s0], s1  }
0x20e: {  	s0 =	simm.s32 @!p0 $0x5  }
0x20f: {  	_ =	swait.ge @!p0 [sflag:s0], s1  }
0x210: {  	s1 =	ssub.s32 @!p0 $0x0, s1;
	[sflag:s0] =	ssyncset.done @!p0 $0x0  }
0x211: {  	[sflag:s0] =	ssyncadd.s32 @!p0 s1  }
0x212: {  	[bflag:$0x3] =	sbarrier.arrive $0xFFFF  }
0x213: {  	_ =	shalt  }

</sc_bundles>
